<compile_context>
chip_gen: v7x
topology: tpu7x:2x2x1
jax: 0.10.2.dev20260603
libtpu: 0.0.44.dev20260713+nightly
codegen_flags: <defaults>
</compile_context>

<pallas_src>
import functools

import jax
import jax.numpy as jnp
from jax import lax
from jax.experimental import pallas as pl
from jax.experimental.pallas import tpu as pltpu
from jax.experimental.pallas import tpu_sc as plsc

_TOPK = 25
_SKIP = 3
_NSEL = _TOPK - _SKIP
_B = 64
_C = 1000
_HW = 28 * 28
_NC = 2
_NS = 16
_HB = _B // _NC
_CHUNKS = _HW // _NS
_NEG = float("-inf")
_BIG = 1 << 30
_STG = 128


def _topk_row(mo8_v, stage_v, r, bi, lanes, lane0):

    def init_step(k, carry):
        m, mi = carry
        e = k * 16 + lanes
        inb = e < _C
        g = plsc.load_gather(mo8_v, [jnp.full((16,), r), e], mask=inb)
        v = jnp.where(inb, g, _NEG)
        upd = v > m
        return jnp.where(upd, v, m), jnp.where(upd, k, mi)

    m0 = jnp.full((16,), _NEG, jnp.float32)
    mi0 = jnp.zeros((16,), jnp.int32)
    M, MI = lax.fori_loop(0, 64, init_step, (m0, mi0))

    def topk_step(t, carry):
        m, mi = carry
        mx = jnp.max(m)
        cand = jnp.where(m == mx, mi * 16 + lanes, _BIG)
        c_sel = jnp.minimum(jnp.min(cand), _C - 1)
        pos = 64 + bi * _NSEL + jnp.maximum(t - _SKIP, 0)
        plsc.store_scatter(stage_v, [jnp.full((16,), pos)],
                           jnp.full((16,), c_sel),
                           mask=lane0 & (t >= _SKIP))
        plsc.store_scatter(mo8_v, [jnp.full((16,), r), jnp.full((16,), c_sel)],
                           jnp.full((16,), _NEG, jnp.float32), mask=lane0)
        col = lax.rem(c_sel, 16)
        vm = jnp.full((16,), _NEG, jnp.float32)
        km = jnp.zeros((16,), jnp.int32)
        for j in range(4):
            e = col + 256 * j + 16 * lanes
            inb = e < _C
            g = plsc.load_gather(mo8_v, [jnp.full((16,), r), e], mask=inb)
            v = jnp.where(inb, g, _NEG)
            upd = v > vm
            vm = jnp.where(upd, v, vm)
            km = jnp.where(upd, j, km)
        cmx = jnp.max(vm)
        ck = jnp.where(vm == cmx, km * 16 + lanes, _BIG)
        kmin = jnp.min(ck)
        hit = lanes == col
        return jnp.where(hit, cmx, m), jnp.where(hit, kmin, mi)

    lax.fori_loop(0, _TOPK, topk_step, (M, MI))


def _sc_body(p_hbm, mo_hbm, tf_hbm, out_hbm,
             mo8_v, stage_v, allidx_v, buf0, p8_v, tot_v,
             sh_idx, sem0, sem1):
    cid = lax.axis_index("c")
    sid = lax.axis_index("s")
    b0 = _HB * cid + 2 * sid
    grp = lax.div(b0, 8) * 8
    lanes = lax.iota(jnp.int32, 16)
    lane0 = lanes == 0

    bh0 = 2 * sid
    for k in range(_STG // 16):
        stage_v[pl.ds(16 * k, 16)] = jnp.zeros((16,), jnp.int32)
    stage_v[pl.ds(0, 16)] = jnp.full((16,), bh0)
    stage_v[pl.ds(16, 16)] = jnp.where(lanes < 6, bh0, bh0 + 1)
    stage_v[pl.ds(32, 16)] = jnp.where(lanes < 12, bh0 + 1, 0)

    pltpu.sync_copy(mo_hbm.at[pl.ds(grp, 8)], mo8_v)
    for bi in range(2):
        _topk_row(mo8_v, stage_v, b0 + bi - grp, bi, lanes, lane0)

    pltpu.sync_copy(stage_v, sh_idx.at[sid])
    plsc.subcore_barrier()
    pltpu.sync_copy(sh_idx, allidx_v)

    pltpu.sync_copy(p_hbm.at[pl.ds(grp, 8)], p8_v)
    tot = jnp.zeros((16,), jnp.float32)

    def p_step(k, acc):
        a = acc
        for bi in range(2):
            g = plsc.load_gather(
                p8_v, [jnp.full((16,), b0 + bi - grp), k * 16 + lanes])
            a = a + g
        return a

    tot = lax.fori_loop(0, _HW // 16, p_step, tot)

    half = pl.ds(_HB * cid, _HB)
    base = sid * _CHUNKS

    def consume(buf, acc):
        def row_step(rw, a):
            rs = jnp.full((16,), rw)
            for k in range(3):
                msk = (k * 16 + lanes) < 44
                idxb = plsc.load_gather(allidx_v, [rs, k * 16 + lanes])
                idxc = plsc.load_gather(allidx_v, [rs, 64 + k * 16 + lanes])
                g = plsc.load_gather(buf, [idxb, idxc], mask=msk)
                a = a + jnp.where(msk, g, 0.0)
            return a

        return lax.fori_loop(0, _NS, row_step, acc)

    def chunk_step(i, acc):
        pltpu.sync_copy(tf_hbm.at[base + i, half], buf0)
        return consume(buf0, acc)

    tot = lax.fori_loop(0, _CHUNKS, chunk_step, tot)

    tot_v[...] = tot * jnp.float32(1.0 / (_B * _HW))
    pltpu.sync_copy(tot_v, out_hbm.at[cid, sid])


@functools.partial(
    pl.kernel,
    out_type=jax.ShapeDtypeStruct((_NC, _NS, 16), jnp.float32),
    mesh=plsc.VectorSubcoreMesh(core_axis_name="c", subcore_axis_name="s"),
    compiler_params=pltpu.CompilerParams(needs_layout_passes=False),
    scratch_types=[
        pltpu.VMEM((8, _C), jnp.float32),
        pltpu.VMEM((_STG,), jnp.int32),
        pltpu.VMEM((_NS, _STG), jnp.int32),
        pltpu.VMEM((_HB, _C), jnp.float32),
        pltpu.VMEM((8, _HW), jnp.float32),
        pltpu.VMEM((16,), jnp.float32),
        pltpu.VMEM_SHARED((_NS, _STG), jnp.int32),
        pltpu.SemaphoreType.DMA,
        pltpu.SemaphoreType.DMA,
    ],
)
def _area_loss_sc(p_hbm, mo_hbm, tf_hbm, out_hbm, *scratch):
    _sc_body(p_hbm, mo_hbm, tf_hbm, out_hbm, *scratch)


def kernel(p, main_out, features):
    p2 = p.reshape(_B, _HW)
    tf = jnp.transpose(features, (2, 3, 0, 1)).reshape(_HW, _B, _C)
    partials = _area_loss_sc(p2, main_out, tf)
    return jnp.sum(partials)

# --- scband reference (transcript-rebuilt; emitter-appended) ---
"""Pipeline reference for scband-area-loss-7069516169625 (READ-ONLY COPY).

The authoritative reference and input builder live on the scoring server;
editing this copy changes nothing except your own understanding.
"""

import jax, jax.numpy as jnp
import numpy as np

TOPK = 25


def setup_inputs(seed: int = 0) -> dict:
    key = jax.random.key(seed)
    k1, k2, k3 = jax.random.split(key, 3)
    p = jax.random.normal(k1, (64, 1, 28, 28), dtype=jnp.float32)
    main_out = jax.random.normal(k2, (64, 1000), dtype=jnp.float32)
    features = jax.random.normal(k3, (64, 1000, 28, 28), dtype=jnp.float32)
    return {"p": p, "main_out": main_out, "features": features}


def reference(p, main_out, features):
    B = p.shape[0]
    denom = p.shape[0] * p.shape[2] * p.shape[3]
    loss = jnp.sum(p) / denom
    if TOPK != 0:
        probs = jax.nn.softmax(main_out, axis=-1)
        _, pred_idx = jax.lax.top_k(probs, TOPK)
        batch = jnp.arange(B)
        for j in range(3, TOPK):
            feat = features[batch, pred_idx[:, j], :, :]
            loss = loss + jnp.sum(feat) / denom
    return loss

if __name__ == "__main__":
    import jax
    _d = setup_inputs()
    print(jax.jit(kernel)(*tuple(_d.values())))

</pallas_src>

<mosaic_0001>
#map = affine_map<(d0, d1) -> (0, 0)>
#map1 = affine_map<(d0, d1) -> (0, 0, 0)>
module attributes {stable_mosaic.version = 14 : i64} {
  func.func @_area_loss_sc(%arg0: i32, %arg1: i32, %arg2: memref<64x784xf32, #tpu.memory_space<hbm>>, %arg3: memref<64x1000xf32, #tpu.memory_space<hbm>>, %arg4: memref<784x64x1000xf32, #tpu.memory_space<hbm>>, %arg5: memref<2x16x16xf32, #tpu.memory_space<hbm>>, %arg6: memref<8x1000xf32, #tpu.memory_space<vmem>>, %arg7: memref<128xi32, #tpu.memory_space<vmem>>, %arg8: memref<16x128xi32, #tpu.memory_space<vmem>>, %arg9: memref<32x1000xf32, #tpu.memory_space<vmem>>, %arg10: memref<8x784xf32, #tpu.memory_space<vmem>>, %arg11: memref<16xf32, #tpu.memory_space<vmem>>, %arg12: memref<16x128xi32, #tpu.memory_space<vmem_shared>>, %arg13: memref<!tpu.dma_semaphore, #tpu.memory_space<semaphore_mem>>, %arg14: memref<!tpu.dma_semaphore, #tpu.memory_space<semaphore_mem>>) attributes {dimension_semantics = [#tpu.dimension_semantics<core_parallel>, #tpu.dimension_semantics<subcore_parallel>], iteration_bounds = array<i64: 2, 16>, scalar_prefetch = 0 : i64, scratch_operands = 9 : i64, tpu.core_type = #tpu.core_type<sc_vector_subcore>, window_params = [{transform_indices = #map}, {transform_indices = #map}, {transform_indices = #map1}, {transform_indices = #map1}]} {
    %mul3A = arith.constant 32 : i32
    %mul3A_0 = arith.muli %mul3A, %arg0 : i32
    %mul3A_1 = arith.constant 2 : i32
    %mul3A_2 = arith.muli %mul3A_1, %arg1 : i32
    %add3A = arith.addi %mul3A_0, %mul3A_2 : i32
    %div3A = arith.constant 8 : i32
    %div3A_3 = arith.divsi %add3A, %div3A : i32
    %mul3A_4 = arith.constant 8 : i32
    %mul3A_5 = arith.muli %div3A_3, %mul3A_4 : i32
    %iota3A = tpu.iota {dimensions = array<i32: 0>} : vector<16xi32>
    %eq3A = arith.constant 0 : i32
    %eq3A_6 = vector.broadcast %eq3A : i32 to vector<16xi32>
    %eq3A_7 = arith.cmpi eq, %iota3A, %eq3A_6 : vector<16xi32>
    %mul3A_8 = arith.constant 2 : i32
    %mul3A_9 = arith.muli %mul3A_8, %arg1 : i32
    %broadcast_in_dim3A = arith.constant 0 : i32
    %broadcast_in_dim3A_10 = vector.broadcast %broadcast_in_dim3A : i32 to vector<16xi32>
    %swap3A = arith.constant 0 : index
    %swap3A_11 = tpu.vector_load %arg7[%swap3A] {strides = array<i32>} : memref<128xi32, #tpu.memory_space<vmem>>, vector<16xi32>,
    tpu.vector_store %arg7[%swap3A], %broadcast_in_dim3A_10 {strides = array<i32>} : memref<128xi32, #tpu.memory_space<vmem>>, vector<16xi32>,
    %broadcast_in_dim3A_12 = arith.constant 0 : i32
    %broadcast_in_dim3A_13 = vector.broadcast %broadcast_in_dim3A_12 : i32 to vector<16xi32>
    %swap3A_14 = arith.constant 16 : index
    %swap3A_15 = tpu.vector_load %arg7[%swap3A_14] {strides = array<i32>} : memref<128xi32, #tpu.memory_space<vmem>>, vector<16xi32>,
    tpu.vector_store %arg7[%swap3A_14], %broadcast_in_dim3A_13 {strides = array<i32>} : memref<128xi32, #tpu.memory_space<vmem>>, vector<16xi32>,
    %broadcast_in_dim3A_16 = arith.constant 0 : i32
    %broadcast_in_dim3A_17 = vector.broadcast %broadcast_in_dim3A_16 : i32 to vector<16xi32>
    %swap3A_18 = arith.constant 32 : index
    %swap3A_19 = tpu.vector_load %arg7[%swap3A_18] {strides = array<i32>} : memref<128xi32, #tpu.memory_space<vmem>>, vector<16xi32>,
    tpu.vector_store %arg7[%swap3A_18], %broadcast_in_dim3A_17 {strides = array<i32>} : memref<128xi32, #tpu.memory_space<vmem>>, vector<16xi32>,
    %broadcast_in_dim3A_20 = arith.constant 0 : i32
    %broadcast_in_dim3A_21 = vector.broadcast %broadcast_in_dim3A_20 : i32 to vector<16xi32>
    %swap3A_22 = arith.constant 48 : index
    %swap3A_23 = tpu.vector_load %arg7[%swap3A_22] {strides = array<i32>} : memref<128xi32, #tpu.memory_space<vmem>>, vector<16xi32>,
    tpu.vector_store %arg7[%swap3A_22], %broadcast_in_dim3A_21 {strides = array<i32>} : memref<128xi32, #tpu.memory_space<vmem>>, vector<16xi32>,
    %broadcast_in_dim3A_24 = arith.constant 0 : i32
    %broadcast_in_dim3A_25 = vector.broadcast %broadcast_in_dim3A_24 : i32 to vector<16xi32>
    %swap3A_26 = arith.constant 64 : index
    %swap3A_27 = tpu.vector_load %arg7[%swap3A_26] {strides = array<i32>} : memref<128xi32, #tpu.memory_space<vmem>>, vector<16xi32>,
    tpu.vector_store %arg7[%swap3A_26], %broadcast_in_dim3A_25 {strides = array<i32>} : memref<128xi32, #tpu.memory_space<vmem>>, vector<16xi32>,
    %broadcast_in_dim3A_28 = arith.constant 0 : i32
    %broadcast_in_dim3A_29 = vector.broadcast %broadcast_in_dim3A_28 : i32 to vector<16xi32>
    %swap3A_30 = arith.constant 80 : index
    %swap3A_31 = tpu.vector_load %arg7[%swap3A_30] {strides = array<i32>} : memref<128xi32, #tpu.memory_space<vmem>>, vector<16xi32>,
    tpu.vector_store %arg7[%swap3A_30], %broadcast_in_dim3A_29 {strides = array<i32>} : memref<128xi32, #tpu.memory_space<vmem>>, vector<16xi32>,
    %broadcast_in_dim3A_32 = arith.constant 0 : i32
    %broadcast_in_dim3A_33 = vector.broadcast %broadcast_in_dim3A_32 : i32 to vector<16xi32>
    %swap3A_34 = arith.constant 96 : index
    %swap3A_35 = tpu.vector_load %arg7[%swap3A_34] {strides = array<i32>} : memref<128xi32, #tpu.memory_space<vmem>>, vector<16xi32>,
    tpu.vector_store %arg7[%swap3A_34], %broadcast_in_dim3A_33 {strides = array<i32>} : memref<128xi32, #tpu.memory_space<vmem>>, vector<16xi32>,
    %broadcast_in_dim3A_36 = arith.constant 0 : i32
    %broadcast_in_dim3A_37 = vector.broadcast %broadcast_in_dim3A_36 : i32 to vector<16xi32>
    %swap3A_38 = arith.constant 112 : index
    %swap3A_39 = tpu.vector_load %arg7[%swap3A_38] {strides = array<i32>} : memref<128xi32, #tpu.memory_space<vmem>>, vector<16xi32>,
    tpu.vector_store %arg7[%swap3A_38], %broadcast_in_dim3A_37 {strides = array<i32>} : memref<128xi32, #tpu.memory_space<vmem>>, vector<16xi32>,
    %broadcast_in_dim3A_40 = vector.broadcast %mul3A_9 : i32 to vector<16xi32>
    %swap3A_41 = arith.constant 0 : index
    %swap3A_42 = tpu.vector_load %arg7[%swap3A_41] {strides = array<i32>} : memref<128xi32, #tpu.memory_space<vmem>>, vector<16xi32>,
    tpu.vector_store %arg7[%swap3A_41], %broadcast_in_dim3A_40 {strides = array<i32>} : memref<128xi32, #tpu.memory_space<vmem>>, vector<16xi32>,
    %lt3A = arith.constant 6 : i32
    %lt3A_43 = vector.broadcast %lt3A : i32 to vector<16xi32>
    %lt3A_44 = arith.cmpi slt, %iota3A, %lt3A_43 : vector<16xi32>
    %add3A_45 = arith.constant 1 : i32
    %add3A_46 = arith.addi %mul3A_9, %add3A_45 : i32
    %broadcast_in_dim3A_47 = vector.broadcast %mul3A_9 : i32 to vector<16xi32>
    %broadcast_in_dim3A_48 = vector.broadcast %add3A_46 : i32 to vector<16xi32>
    %select_n3A = arith.select %lt3A_44, %broadcast_in_dim3A_47, %broadcast_in_dim3A_48 : vector<16xi1>, vector<16xi32>
    %swap3A_49 = arith.constant 16 : index
    %swap3A_50 = tpu.vector_load %arg7[%swap3A_49] {strides = array<i32>} : memref<128xi32, #tpu.memory_space<vmem>>, vector<16xi32>,
    tpu.vector_store %arg7[%swap3A_49], %select_n3A {strides = array<i32>} : memref<128xi32, #tpu.memory_space<vmem>>, vector<16xi32>,
    %lt3A_51 = arith.constant 12 : i32
    %lt3A_52 = vector.broadcast %lt3A_51 : i32 to vector<16xi32>
    %lt3A_53 = arith.cmpi slt, %iota3A, %lt3A_52 : vector<16xi32>
    %add3A_54 = arith.constant 1 : i32
    %add3A_55 = arith.addi %mul3A_9, %add3A_54 : i32
    %jit3A = arith.constant 0 : i32
    %broadcast_in_dim3A_56 = vector.broadcast %add3A_55 : i32 to vector<16xi32>
    %broadcast_in_dim3A_57 = vector.broadcast %jit3A : i32 to vector<16xi32>
    %select_n3A_58 = arith.select %lt3A_53, %broadcast_in_dim3A_56, %broadcast_in_dim3A_57 : vector<16xi1>, vector<16xi32>
    %swap3A_59 = arith.constant 32 : index
    %swap3A_60 = tpu.vector_load %arg7[%swap3A_59] {strides = array<i32>} : memref<128xi32, #tpu.memory_space<vmem>>, vector<16xi32>,
    tpu.vector_store %arg7[%swap3A_59], %select_n3A_58 {strides = array<i32>} : memref<128xi32, #tpu.memory_space<vmem>>, vector<16xi32>,
    "tpu.region"() ({
      %run_scoped3A = tpu.sem_alloc : memref<!tpu.dma_semaphore, #tpu.memory_space<semaphore_mem>>
      %dma_start3A = arith.constant 0 : i32
      %dma_start3A_120 = tpu.memref_slice %arg3[%mul3A_5, %dma_start3A] : memref<64x1000xf32, #tpu.memory_space<hbm>> -> memref<8x1000xf32, #tpu.memory_space<hbm>>
      %dma_start3A_121 = arith.constant 0 : i32
      %dma_start3A_122 = tpu.memref_slice %arg3[%mul3A_5, %dma_start3A_121] : memref<64x1000xf32, #tpu.memory_space<hbm>> -> memref<8x1000xf32, #tpu.memory_space<hbm>>
      tpu.enqueue_dma source(%dma_start3A_122 : memref<8x1000xf32, #tpu.memory_space<hbm>>) target(%arg6 : memref<8x1000xf32, #tpu.memory_space<vmem>>) target_semaphore(%run_scoped3A : memref<!tpu.dma_semaphore, #tpu.memory_space<semaphore_mem>>)
      %dma_wait3A = arith.constant 0 : i32
      %dma_wait3A_123 = tpu.memref_slice %arg3[%mul3A_5, %dma_wait3A] : memref<64x1000xf32, #tpu.memory_space<hbm>> -> memref<8x1000xf32, #tpu.memory_space<hbm>>
      %dma_wait3A_124 = arith.constant 0 : i32
      %dma_wait3A_125 = tpu.memref_slice %arg3[%mul3A_5, %dma_wait3A_124] : memref<64x1000xf32, #tpu.memory_space<hbm>> -> memref<8x1000xf32, #tpu.memory_space<hbm>>
      tpu.wait_dma2 semaphore(%run_scoped3A : memref<!tpu.dma_semaphore, #tpu.memory_space<semaphore_mem>>) src(%dma_wait3A_125 : memref<8x1000xf32, #tpu.memory_space<hbm>>) dst(%arg6 : memref<8x1000xf32, #tpu.memory_space<vmem>>)
      tpu.yield
    }) : () -> ()
    %add3A_61 = arith.constant 0 : i32
    %add3A_62 = arith.addi %add3A, %add3A_61 : i32
    %sub3A = arith.subi %add3A_62, %mul3A_5 : i32
    %broadcast_in_dim3A_63 = arith.constant 0xFF800000 : f32
    %broadcast_in_dim3A_64 = vector.broadcast %broadcast_in_dim3A_63 : f32 to vector<16xf32>
    %broadcast_in_dim3A_65 = arith.constant 0 : i32
    %broadcast_in_dim3A_66 = vector.broadcast %broadcast_in_dim3A_65 : i32 to vector<16xi32>
    %scan3A = arith.constant 0 : i32
    %scan3A_67 = arith.constant 64 : i32
    %scan3A_68 = arith.addi %scan3A, %scan3A_67 : i32
    %scan3A_69 = arith.constant 1 : i32
    %scan3A_70:2 = scf.for %scan3A_120 = %scan3A to %scan3A_68 step %scan3A_69 iter_args(%scan3A_121 = %broadcast_in_dim3A_64, %scan3A_122 = %broadcast_in_dim3A_66) -> (vector<16xf32>, vector<16xi32>)  : i32 {
      %mul3A_123 = arith.constant 16 : i32
      %mul3A_124 = arith.muli %scan3A_120, %mul3A_123 : i32
      %add3A_125 = vector.broadcast %mul3A_124 : i32 to vector<16xi32>
      %add3A_126 = arith.addi %add3A_125, %iota3A : vector<16xi32>
      %lt3A_127 = arith.constant 1000 : i32
      %lt3A_128 = vector.broadcast %lt3A_127 : i32 to vector<16xi32>
      %lt3A_129 = arith.cmpi slt, %add3A_126, %lt3A_128 : vector<16xi32>
      %broadcast_in_dim3A_130 = vector.broadcast %sub3A : i32 to vector<16xi32>
      %gather3A = tpu.vector_load_idx %arg6[%broadcast_in_dim3A_130, %add3A_126] masked %lt3A_129 : memref<8x1000xf32, #tpu.memory_space<vmem>>[vector<16xi32>, vector<16xi32>], vector<16xf32>, vector<16xi1>
      %jit3A_131 = arith.constant 0xFF800000 : f32
      %broadcast_in_dim3A_132 = vector.broadcast %jit3A_131 : f32 to vector<16xf32>
      %select_n3A_133 = arith.select %lt3A_129, %gather3A, %broadcast_in_dim3A_132 : vector<16xi1>, vector<16xf32>
      %gt3A = arith.cmpf ogt, %select_n3A_133, %scan3A_121 : vector<16xf32>
      %select_n3A_134 = arith.select %gt3A, %select_n3A_133, %scan3A_121 : vector<16xi1>, vector<16xf32>
      %broadcast_in_dim3A_135 = vector.broadcast %scan3A_120 : i32 to vector<16xi32>
      %select_n3A_136 = arith.select %gt3A, %broadcast_in_dim3A_135, %scan3A_122 : vector<16xi1>, vector<16xi32>
      scf.yield %select_n3A_134, %select_n3A_136 : vector<16xf32>, vector<16xi32>
    }
    %scan3A_71 = arith.constant 64 : i32
    %scan3A_72 = arith.constant 0 : i32
    %scan3A_73 = arith.constant 25 : i32
    %scan3A_74 = arith.addi %scan3A_72, %scan3A_73 : i32
    %scan3A_75 = arith.constant 1 : i32
    %scan3A_76:2 = scf.for %scan3A_120 = %scan3A_72 to %scan3A_74 step %scan3A_75 iter_args(%scan3A_121 = %scan3A_70#0, %scan3A_122 = %scan3A_70#1) -> (vector<16xf32>, vector<16xi32>)  : i32 {
      %reduce_max3A = arith.constant true
      %reduce_max3A_123 = vector.broadcast %reduce_max3A : i1 to vector<16xi1>
      %reduce_max3A_124 = tpu.scan <max>, %scan3A_121 masked %reduce_max3A_123 : vector<16xf32>, vector<16xi1> -> vector<16xf32>
      %reduce_max3A_125 = vector.extract %reduce_max3A_124[15] : f32 from vector<16xf32>
      %eq3A_126 = vector.broadcast %reduce_max3A_125 : f32 to vector<16xf32>
      %eq3A_127 = arith.cmpf oeq, %scan3A_121, %eq3A_126 : vector<16xf32>
      %mul3A_128 = arith.constant 16 : i32
      %mul3A_129 = vector.broadcast %mul3A_128 : i32 to vector<16xi32>
      %mul3A_130 = arith.muli %scan3A_122, %mul3A_129 : vector<16xi32>
      %add3A_131 = arith.addi %mul3A_130, %iota3A : vector<16xi32>
      %jit3A_132 = arith.constant 1073741824 : i32
      %broadcast_in_dim3A_133 = vector.broadcast %jit3A_132 : i32 to vector<16xi32>
      %select_n3A_134 = arith.select %eq3A_127, %add3A_131, %broadcast_in_dim3A_133 : vector<16xi1>, vector<16xi32>
      %reduce_min3A = arith.constant true
      %reduce_min3A_135 = vector.broadcast %reduce_min3A : i1 to vector<16xi1>
      %reduce_min3A_136 = arith.constant -2147483648 : i32
      %reduce_min3A_137 = vector.broadcast %reduce_min3A_136 : i32 to vector<16xi32>
      %reduce_min3A_138 = arith.xori %select_n3A_134, %reduce_min3A_137 : vector<16xi32>
      %reduce_min3A_139 = tpu.scan <min>, %reduce_min3A_138 masked %reduce_min3A_135 : vector<16xi32>, vector<16xi1> -> vector<16xi32>
      %reduce_min3A_140 = arith.xori %reduce_min3A_139, %reduce_min3A_137 : vector<16xi32>
      %reduce_min3A_141 = vector.extract %reduce_min3A_140[15] : i32 from vector<16xi32>
      %min3A = arith.constant 999 : i32
      %min3A_142 = arith.minsi %reduce_min3A_141, %min3A : i32
      %sub3A_143 = arith.constant 3 : i32
      %sub3A_144 = arith.subi %scan3A_120, %sub3A_143 : i32
      %max3A = arith.constant 0 : i32
      %max3A_145 = arith.maxsi %sub3A_144, %max3A : i32
      %add3A_146 = arith.constant 64 : i32
      %add3A_147 = arith.addi %add3A_146, %max3A_145 : i32
      %broadcast_in_dim3A_148 = vector.broadcast %add3A_147 : i32 to vector<16xi32>
      %broadcast_in_dim3A_149 = vector.broadcast %min3A_142 : i32 to vector<16xi32>
      %ge3A = arith.constant 3 : i32
      %ge3A_150 = arith.cmpi sge, %scan3A_120, %ge3A : i32
      %and3A = vector.broadcast %ge3A_150 : i1 to vector<16xi1>
      %and3A_151 = arith.andi %eq3A_7, %and3A : vector<16xi1>
      tpu.vector_store_idx %arg7[%broadcast_in_dim3A_148], %broadcast_in_dim3A_149 masked %and3A_151 : memref<128xi32, #tpu.memory_space<vmem>>[vector<16xi32>], vector<16xi32>, vector<16xi1>
      %broadcast_in_dim3A_152 = vector.broadcast %sub3A : i32 to vector<16xi32>
      %broadcast_in_dim3A_153 = vector.broadcast %min3A_142 : i32 to vector<16xi32>
      %broadcast_in_dim3A_154 = arith.constant 0xFF800000 : f32
      %broadcast_in_dim3A_155 = vector.broadcast %broadcast_in_dim3A_154 : f32 to vector<16xf32>
      tpu.vector_store_idx %arg6[%broadcast_in_dim3A_152, %broadcast_in_dim3A_153], %broadcast_in_dim3A_155 masked %eq3A_7 : memref<8x1000xf32, #tpu.memory_space<vmem>>[vector<16xi32>, vector<16xi32>], vector<16xf32>, vector<16xi1>
      %rem3A = arith.constant 16 : i32
      %rem3A_156 = arith.remsi %min3A_142, %rem3A : i32
      %broadcast_in_dim3A_157 = arith.constant 0xFF800000 : f32
      %broadcast_in_dim3A_158 = vector.broadcast %broadcast_in_dim3A_157 : f32 to vector<16xf32>
      %broadcast_in_dim3A_159 = arith.constant 0 : i32
      %broadcast_in_dim3A_160 = vector.broadcast %broadcast_in_dim3A_159 : i32 to vector<16xi32>
      %add3A_161 = arith.constant 0 : i32
      %add3A_162 = arith.addi %rem3A_156, %add3A_161 : i32
      %mul3A_163 = arith.constant 16 : i32
      %mul3A_164 = vector.broadcast %mul3A_163 : i32 to vector<16xi32>
      %mul3A_165 = arith.muli %mul3A_164, %iota3A : vector<16xi32>
      %add3A_166 = vector.broadcast %add3A_162 : i32 to vector<16xi32>
      %add3A_167 = arith.addi %add3A_166, %mul3A_165 : vector<16xi32>
      %lt3A_168 = arith.constant 1000 : i32
      %lt3A_169 = vector.broadcast %lt3A_168 : i32 to vector<16xi32>
      %lt3A_170 = arith.cmpi slt, %add3A_167, %lt3A_169 : vector<16xi32>
      %broadcast_in_dim3A_171 = vector.broadcast %sub3A : i32 to vector<16xi32>
      %gather3A = tpu.vector_load_idx %arg6[%broadcast_in_dim3A_171, %add3A_167] masked %lt3A_170 : memref<8x1000xf32, #tpu.memory_space<vmem>>[vector<16xi32>, vector<16xi32>], vector<16xf32>, vector<16xi1>
      %jit3A_172 = arith.constant 0xFF800000 : f32
      %broadcast_in_dim3A_173 = vector.broadcast %jit3A_172 : f32 to vector<16xf32>
      %select_n3A_174 = arith.select %lt3A_170, %gather3A, %broadcast_in_dim3A_173 : vector<16xi1>, vector<16xf32>
      %gt3A = arith.cmpf ogt, %select_n3A_174, %broadcast_in_dim3A_158 : vector<16xf32>
      %select_n3A_175 = arith.select %gt3A, %select_n3A_174, %broadcast_in_dim3A_158 : vector<16xi1>, vector<16xf32>
      %jit3A_176 = arith.constant 0 : i32
      %broadcast_in_dim3A_177 = vector.broadcast %jit3A_176 : i32 to vector<16xi32>
      %select_n3A_178 = arith.select %gt3A, %broadcast_in_dim3A_177, %broadcast_in_dim3A_160 : vector<16xi1>, vector<16xi32>
      %add3A_179 = arith.constant 256 : i32
      %add3A_180 = arith.addi %rem3A_156, %add3A_179 : i32
      %mul3A_181 = arith.constant 16 : i32
      %mul3A_182 = vector.broadcast %mul3A_181 : i32 to vector<16xi32>
      %mul3A_183 = arith.muli %mul3A_182, %iota3A : vector<16xi32>
      %add3A_184 = vector.broadcast %add3A_180 : i32 to vector<16xi32>
      %add3A_185 = arith.addi %add3A_184, %mul3A_183 : vector<16xi32>
      %lt3A_186 = arith.constant 1000 : i32
      %lt3A_187 = vector.broadcast %lt3A_186 : i32 to vector<16xi32>
      %lt3A_188 = arith.cmpi slt, %add3A_185, %lt3A_187 : vector<16xi32>
      %broadcast_in_dim3A_189 = vector.broadcast %sub3A : i32 to vector<16xi32>
      %gather3A_190 = tpu.vector_load_idx %arg6[%broadcast_in_dim3A_189, %add3A_185] masked %lt3A_188 : memref<8x1000xf32, #tpu.memory_space<vmem>>[vector<16xi32>, vector<16xi32>], vector<16xf32>, vector<16xi1>
      %jit3A_191 = arith.constant 0xFF800000 : f32
      %broadcast_in_dim3A_192 = vector.broadcast %jit3A_191 : f32 to vector<16xf32>
      %select_n3A_193 = arith.select %lt3A_188, %gather3A_190, %broadcast_in_dim3A_192 : vector<16xi1>, vector<16xf32>
      %gt3A_194 = arith.cmpf ogt, %select_n3A_193, %select_n3A_175 : vector<16xf32>
      %select_n3A_195 = arith.select %gt3A_194, %select_n3A_193, %select_n3A_175 : vector<16xi1>, vector<16xf32>
      %jit3A_196 = arith.constant 1 : i32
      %broadcast_in_dim3A_197 = vector.broadcast %jit3A_196 : i32 to vector<16xi32>
      %select_n3A_198 = arith.select %gt3A_194, %broadcast_in_dim3A_197, %select_n3A_178 : vector<16xi1>, vector<16xi32>
      %add3A_199 = arith.constant 512 : i32
      %add3A_200 = arith.addi %rem3A_156, %add3A_199 : i32
      %mul3A_201 = arith.constant 16 : i32
      %mul3A_202 = vector.broadcast %mul3A_201 : i32 to vector<16xi32>
      %mul3A_203 = arith.muli %mul3A_202, %iota3A : vector<16xi32>
      %add3A_204 = vector.broadcast %add3A_200 : i32 to vector<16xi32>
      %add3A_205 = arith.addi %add3A_204, %mul3A_203 : vector<16xi32>
      %lt3A_206 = arith.constant 1000 : i32
      %lt3A_207 = vector.broadcast %lt3A_206 : i32 to vector<16xi32>
      %lt3A_208 = arith.cmpi slt, %add3A_205, %lt3A_207 : vector<16xi32>
      %broadcast_in_dim3A_209 = vector.broadcast %sub3A : i32 to vector<16xi32>
      %gather3A_210 = tpu.vector_load_idx %arg6[%broadcast_in_dim3A_209, %add3A_205] masked %lt3A_208 : memref<8x1000xf32, #tpu.memory_space<vmem>>[vector<16xi32>, vector<16xi32>], vector<16xf32>, vector<16xi1>
      %jit3A_211 = arith.constant 0xFF800000 : f32
      %broadcast_in_dim3A_212 = vector.broadcast %jit3A_211 : f32 to vector<16xf32>
      %select_n3A_213 = arith.select %lt3A_208, %gather3A_210, %broadcast_in_dim3A_212 : vector<16xi1>, vector<16xf32>
      %gt3A_214 = arith.cmpf ogt, %select_n3A_213, %select_n3A_195 : vector<16xf32>
      %select_n3A_215 = arith.select %gt3A_214, %select_n3A_213, %select_n3A_195 : vector<16xi1>, vector<16xf32>
      %jit3A_216 = arith.constant 2 : i32
      %broadcast_in_dim3A_217 = vector.broadcast %jit3A_216 : i32 to vector<16xi32>
      %select_n3A_218 = arith.select %gt3A_214, %broadcast_in_dim3A_217, %select_n3A_198 : vector<16xi1>, vector<16xi32>
      %add3A_219 = arith.constant 768 : i32
      %add3A_220 = arith.addi %rem3A_156, %add3A_219 : i32
      %mul3A_221 = arith.constant 16 : i32
      %mul3A_222 = vector.broadcast %mul3A_221 : i32 to vector<16xi32>
      %mul3A_223 = arith.muli %mul3A_222, %iota3A : vector<16xi32>
      %add3A_224 = vector.broadcast %add3A_220 : i32 to vector<16xi32>
      %add3A_225 = arith.addi %add3A_224, %mul3A_223 : vector<16xi32>
      %lt3A_226 = arith.constant 1000 : i32
      %lt3A_227 = vector.broadcast %lt3A_226 : i32 to vector<16xi32>
      %lt3A_228 = arith.cmpi slt, %add3A_225, %lt3A_227 : vector<16xi32>
      %broadcast_in_dim3A_229 = vector.broadcast %sub3A : i32 to vector<16xi32>
      %gather3A_230 = tpu.vector_load_idx %arg6[%broadcast_in_dim3A_229, %add3A_225] masked %lt3A_228 : memref<8x1000xf32, #tpu.memory_space<vmem>>[vector<16xi32>, vector<16xi32>], vector<16xf32>, vector<16xi1>
      %jit3A_231 = arith.constant 0xFF800000 : f32
      %broadcast_in_dim3A_232 = vector.broadcast %jit3A_231 : f32 to vector<16xf32>
      %select_n3A_233 = arith.select %lt3A_228, %gather3A_230, %broadcast_in_dim3A_232 : vector<16xi1>, vector<16xf32>
      %gt3A_234 = arith.cmpf ogt, %select_n3A_233, %select_n3A_215 : vector<16xf32>
      %select_n3A_235 = arith.select %gt3A_234, %select_n3A_233, %select_n3A_215 : vector<16xi1>, vector<16xf32>
      %jit3A_236 = arith.constant 3 : i32
      %broadcast_in_dim3A_237 = vector.broadcast %jit3A_236 : i32 to vector<16xi32>
      %select_n3A_238 = arith.select %gt3A_234, %broadcast_in_dim3A_237, %select_n3A_218 : vector<16xi1>, vector<16xi32>
      %reduce_max3A_239 = arith.constant true
      %reduce_max3A_240 = vector.broadcast %reduce_max3A_239 : i1 to vector<16xi1>
      %reduce_max3A_241 = tpu.scan <max>, %select_n3A_235 masked %reduce_max3A_240 : vector<16xf32>, vector<16xi1> -> vector<16xf32>
      %reduce_max3A_242 = vector.extract %reduce_max3A_241[15] : f32 from vector<16xf32>
      %eq3A_243 = vector.broadcast %reduce_max3A_242 : f32 to vector<16xf32>
      %eq3A_244 = arith.cmpf oeq, %select_n3A_235, %eq3A_243 : vector<16xf32>
      %mul3A_245 = arith.constant 16 : i32
      %mul3A_246 = vector.broadcast %mul3A_245 : i32 to vector<16xi32>
      %mul3A_247 = arith.muli %select_n3A_238, %mul3A_246 : vector<16xi32>
      %add3A_248 = arith.addi %mul3A_247, %iota3A : vector<16xi32>
      %jit3A_249 = arith.constant 1073741824 : i32
      %broadcast_in_dim3A_250 = vector.broadcast %jit3A_249 : i32 to vector<16xi32>
      %select_n3A_251 = arith.select %eq3A_244, %add3A_248, %broadcast_in_dim3A_250 : vector<16xi1>, vector<16xi32>
      %reduce_min3A_252 = arith.constant true
      %reduce_min3A_253 = vector.broadcast %reduce_min3A_252 : i1 to vector<16xi1>
      %reduce_min3A_254 = arith.constant -2147483648 : i32
      %reduce_min3A_255 = vector.broadcast %reduce_min3A_254 : i32 to vector<16xi32>
      %reduce_min3A_256 = arith.xori %select_n3A_251, %reduce_min3A_255 : vector<16xi32>
      %reduce_min3A_257 = tpu.scan <min>, %reduce_min3A_256 masked %reduce_min3A_253 : vector<16xi32>, vector<16xi1> -> vector<16xi32>
      %reduce_min3A_258 = arith.xori %reduce_min3A_257, %reduce_min3A_255 : vector<16xi32>
      %reduce_min3A_259 = vector.extract %reduce_min3A_258[15] : i32 from vector<16xi32>
      %eq3A_260 = vector.broadcast %rem3A_156 : i32 to vector<16xi32>
      %eq3A_261 = arith.cmpi eq, %iota3A, %eq3A_260 : vector<16xi32>
      %broadcast_in_dim3A_262 = vector.broadcast %reduce_max3A_242 : f32 to vector<16xf32>
      %select_n3A_263 = arith.select %eq3A_261, %broadcast_in_dim3A_262, %scan3A_121 : vector<16xi1>, vector<16xf32>
      %broadcast_in_dim3A_264 = vector.broadcast %reduce_min3A_259 : i32 to vector<16xi32>
      %select_n3A_265 = arith.select %eq3A_261, %broadcast_in_dim3A_264, %scan3A_122 : vector<16xi1>, vector<16xi32>
      scf.yield %select_n3A_263, %select_n3A_265 : vector<16xf32>, vector<16xi32>
    }
    %scan3A_77 = arith.constant 25 : i32
    %add3A_78 = arith.constant 1 : i32
    %add3A_79 = arith.addi %add3A, %add3A_78 : i32
    %sub3A_80 = arith.subi %add3A_79, %mul3A_5 : i32
    %broadcast_in_dim3A_81 = arith.constant 0xFF800000 : f32
    %broadcast_in_dim3A_82 = vector.broadcast %broadcast_in_dim3A_81 : f32 to vector<16xf32>
    %broadcast_in_dim3A_83 = arith.constant 0 : i32
    %broadcast_in_dim3A_84 = vector.broadcast %broadcast_in_dim3A_83 : i32 to vector<16xi32>
    %scan3A_85 = arith.constant 0 : i32
    %scan3A_86 = arith.constant 64 : i32
    %scan3A_87 = arith.addi %scan3A_85, %scan3A_86 : i32
    %scan3A_88 = arith.constant 1 : i32
    %scan3A_89:2 = scf.for %scan3A_120 = %scan3A_85 to %scan3A_87 step %scan3A_88 iter_args(%scan3A_121 = %broadcast_in_dim3A_82, %scan3A_122 = %broadcast_in_dim3A_84) -> (vector<16xf32>, vector<16xi32>)  : i32 {
      %mul3A_123 = arith.constant 16 : i32
      %mul3A_124 = arith.muli %scan3A_120, %mul3A_123 : i32
      %add3A_125 = vector.broadcast %mul3A_124 : i32 to vector<16xi32>
      %add3A_126 = arith.addi %add3A_125, %iota3A : vector<16xi32>
      %lt3A_127 = arith.constant 1000 : i32
      %lt3A_128 = vector.broadcast %lt3A_127 : i32 to vector<16xi32>
      %lt3A_129 = arith.cmpi slt, %add3A_126, %lt3A_128 : vector<16xi32>
      %broadcast_in_dim3A_130 = vector.broadcast %sub3A_80 : i32 to vector<16xi32>
      %gather3A = tpu.vector_load_idx %arg6[%broadcast_in_dim3A_130, %add3A_126] masked %lt3A_129 : memref<8x1000xf32, #tpu.memory_space<vmem>>[vector<16xi32>, vector<16xi32>], vector<16xf32>, vector<16xi1>
      %jit3A_131 = arith.constant 0xFF800000 : f32
      %broadcast_in_dim3A_132 = vector.broadcast %jit3A_131 : f32 to vector<16xf32>
      %select_n3A_133 = arith.select %lt3A_129, %gather3A, %broadcast_in_dim3A_132 : vector<16xi1>, vector<16xf32>
      %gt3A = arith.cmpf ogt, %select_n3A_133, %scan3A_121 : vector<16xf32>
      %select_n3A_134 = arith.select %gt3A, %select_n3A_133, %scan3A_121 : vector<16xi1>, vector<16xf32>
      %broadcast_in_dim3A_135 = vector.broadcast %scan3A_120 : i32 to vector<16xi32>
      %select_n3A_136 = arith.select %gt3A, %broadcast_in_dim3A_135, %scan3A_122 : vector<16xi1>, vector<16xi32>
      scf.yield %select_n3A_134, %select_n3A_136 : vector<16xf32>, vector<16xi32>
    }
    %scan3A_90 = arith.constant 64 : i32
    %scan3A_91 = arith.constant 0 : i32
    %scan3A_92 = arith.constant 25 : i32
    %scan3A_93 = arith.addi %scan3A_91, %scan3A_92 : i32
    %scan3A_94 = arith.constant 1 : i32
    %scan3A_95:2 = scf.for %scan3A_120 = %scan3A_91 to %scan3A_93 step %scan3A_94 iter_args(%scan3A_121 = %scan3A_89#0, %scan3A_122 = %scan3A_89#1) -> (vector<16xf32>, vector<16xi32>)  : i32 {
      %reduce_max3A = arith.constant true
      %reduce_max3A_123 = vector.broadcast %reduce_max3A : i1 to vector<16xi1>
      %reduce_max3A_124 = tpu.scan <max>, %scan3A_121 masked %reduce_max3A_123 : vector<16xf32>, vector<16xi1> -> vector<16xf32>
      %reduce_max3A_125 = vector.extract %reduce_max3A_124[15] : f32 from vector<16xf32>
      %eq3A_126 = vector.broadcast %reduce_max3A_125 : f32 to vector<16xf32>
      %eq3A_127 = arith.cmpf oeq, %scan3A_121, %eq3A_126 : vector<16xf32>
      %mul3A_128 = arith.constant 16 : i32
      %mul3A_129 = vector.broadcast %mul3A_128 : i32 to vector<16xi32>
      %mul3A_130 = arith.muli %scan3A_122, %mul3A_129 : vector<16xi32>
      %add3A_131 = arith.addi %mul3A_130, %iota3A : vector<16xi32>
      %jit3A_132 = arith.constant 1073741824 : i32
      %broadcast_in_dim3A_133 = vector.broadcast %jit3A_132 : i32 to vector<16xi32>
      %select_n3A_134 = arith.select %eq3A_127, %add3A_131, %broadcast_in_dim3A_133 : vector<16xi1>, vector<16xi32>
      %reduce_min3A = arith.constant true
      %reduce_min3A_135 = vector.broadcast %reduce_min3A : i1 to vector<16xi1>
      %reduce_min3A_136 = arith.constant -2147483648 : i32
      %reduce_min3A_137 = vector.broadcast %reduce_min3A_136 : i32 to vector<16xi32>
      %reduce_min3A_138 = arith.xori %select_n3A_134, %reduce_min3A_137 : vector<16xi32>
      %reduce_min3A_139 = tpu.scan <min>, %reduce_min3A_138 masked %reduce_min3A_135 : vector<16xi32>, vector<16xi1> -> vector<16xi32>
      %reduce_min3A_140 = arith.xori %reduce_min3A_139, %reduce_min3A_137 : vector<16xi32>
      %reduce_min3A_141 = vector.extract %reduce_min3A_140[15] : i32 from vector<16xi32>
      %min3A = arith.constant 999 : i32
      %min3A_142 = arith.minsi %reduce_min3A_141, %min3A : i32
      %sub3A_143 = arith.constant 3 : i32
      %sub3A_144 = arith.subi %scan3A_120, %sub3A_143 : i32
      %max3A = arith.constant 0 : i32
      %max3A_145 = arith.maxsi %sub3A_144, %max3A : i32
      %add3A_146 = arith.constant 86 : i32
      %add3A_147 = arith.addi %add3A_146, %max3A_145 : i32
      %broadcast_in_dim3A_148 = vector.broadcast %add3A_147 : i32 to vector<16xi32>
      %broadcast_in_dim3A_149 = vector.broadcast %min3A_142 : i32 to vector<16xi32>
      %ge3A = arith.constant 3 : i32
      %ge3A_150 = arith.cmpi sge, %scan3A_120, %ge3A : i32
      %and3A = vector.broadcast %ge3A_150 : i1 to vector<16xi1>
      %and3A_151 = arith.andi %eq3A_7, %and3A : vector<16xi1>
      tpu.vector_store_idx %arg7[%broadcast_in_dim3A_148], %broadcast_in_dim3A_149 masked %and3A_151 : memref<128xi32, #tpu.memory_space<vmem>>[vector<16xi32>], vector<16xi32>, vector<16xi1>
      %broadcast_in_dim3A_152 = vector.broadcast %sub3A_80 : i32 to vector<16xi32>
      %broadcast_in_dim3A_153 = vector.broadcast %min3A_142 : i32 to vector<16xi32>
      %broadcast_in_dim3A_154 = arith.constant 0xFF800000 : f32
      %broadcast_in_dim3A_155 = vector.broadcast %broadcast_in_dim3A_154 : f32 to vector<16xf32>
      tpu.vector_store_idx %arg6[%broadcast_in_dim3A_152, %broadcast_in_dim3A_153], %broadcast_in_dim3A_155 masked %eq3A_7 : memref<8x1000xf32, #tpu.memory_space<vmem>>[vector<16xi32>, vector<16xi32>], vector<16xf32>, vector<16xi1>
      %rem3A = arith.constant 16 : i32
      %rem3A_156 = arith.remsi %min3A_142, %rem3A : i32
      %broadcast_in_dim3A_157 = arith.constant 0xFF800000 : f32
      %broadcast_in_dim3A_158 = vector.broadcast %broadcast_in_dim3A_157 : f32 to vector<16xf32>
      %broadcast_in_dim3A_159 = arith.constant 0 : i32
      %broadcast_in_dim3A_160 = vector.broadcast %broadcast_in_dim3A_159 : i32 to vector<16xi32>
      %add3A_161 = arith.constant 0 : i32
      %add3A_162 = arith.addi %rem3A_156, %add3A_161 : i32
      %mul3A_163 = arith.constant 16 : i32
      %mul3A_164 = vector.broadcast %mul3A_163 : i32 to vector<16xi32>
      %mul3A_165 = arith.muli %mul3A_164, %iota3A : vector<16xi32>
      %add3A_166 = vector.broadcast %add3A_162 : i32 to vector<16xi32>
      %add3A_167 = arith.addi %add3A_166, %mul3A_165 : vector<16xi32>
      %lt3A_168 = arith.constant 1000 : i32
      %lt3A_169 = vector.broadcast %lt3A_168 : i32 to vector<16xi32>
      %lt3A_170 = arith.cmpi slt, %add3A_167, %lt3A_169 : vector<16xi32>
      %broadcast_in_dim3A_171 = vector.broadcast %sub3A_80 : i32 to vector<16xi32>
      %gather3A = tpu.vector_load_idx %arg6[%broadcast_in_dim3A_171, %add3A_167] masked %lt3A_170 : memref<8x1000xf32, #tpu.memory_space<vmem>>[vector<16xi32>, vector<16xi32>], vector<16xf32>, vector<16xi1>
      %jit3A_172 = arith.constant 0xFF800000 : f32
      %broadcast_in_dim3A_173 = vector.broadcast %jit3A_172 : f32 to vector<16xf32>
      %select_n3A_174 = arith.select %lt3A_170, %gather3A, %broadcast_in_dim3A_173 : vector<16xi1>, vector<16xf32>
      %gt3A = arith.cmpf ogt, %select_n3A_174, %broadcast_in_dim3A_158 : vector<16xf32>
      %select_n3A_175 = arith.select %gt3A, %select_n3A_174, %broadcast_in_dim3A_158 : vector<16xi1>, vector<16xf32>
      %jit3A_176 = arith.constant 0 : i32
      %broadcast_in_dim3A_177 = vector.broadcast %jit3A_176 : i32 to vector<16xi32>
      %select_n3A_178 = arith.select %gt3A, %broadcast_in_dim3A_177, %broadcast_in_dim3A_160 : vector<16xi1>, vector<16xi32>
      %add3A_179 = arith.constant 256 : i32
      %add3A_180 = arith.addi %rem3A_156, %add3A_179 : i32
      %mul3A_181 = arith.constant 16 : i32
      %mul3A_182 = vector.broadcast %mul3A_181 : i32 to vector<16xi32>
      %mul3A_183 = arith.muli %mul3A_182, %iota3A : vector<16xi32>
      %add3A_184 = vector.broadcast %add3A_180 : i32 to vector<16xi32>
      %add3A_185 = arith.addi %add3A_184, %mul3A_183 : vector<16xi32>
      %lt3A_186 = arith.constant 1000 : i32
      %lt3A_187 = vector.broadcast %lt3A_186 : i32 to vector<16xi32>
      %lt3A_188 = arith.cmpi slt, %add3A_185, %lt3A_187 : vector<16xi32>
      %broadcast_in_dim3A_189 = vector.broadcast %sub3A_80 : i32 to vector<16xi32>
      %gather3A_190 = tpu.vector_load_idx %arg6[%broadcast_in_dim3A_189, %add3A_185] masked %lt3A_188 : memref<8x1000xf32, #tpu.memory_space<vmem>>[vector<16xi32>, vector<16xi32>], vector<16xf32>, vector<16xi1>
      %jit3A_191 = arith.constant 0xFF800000 : f32
      %broadcast_in_dim3A_192 = vector.broadcast %jit3A_191 : f32 to vector<16xf32>
      %select_n3A_193 = arith.select %lt3A_188, %gather3A_190, %broadcast_in_dim3A_192 : vector<16xi1>, vector<16xf32>
      %gt3A_194 = arith.cmpf ogt, %select_n3A_193, %select_n3A_175 : vector<16xf32>
      %select_n3A_195 = arith.select %gt3A_194, %select_n3A_193, %select_n3A_175 : vector<16xi1>, vector<16xf32>
      %jit3A_196 = arith.constant 1 : i32
      %broadcast_in_dim3A_197 = vector.broadcast %jit3A_196 : i32 to vector<16xi32>
      %select_n3A_198 = arith.select %gt3A_194, %broadcast_in_dim3A_197, %select_n3A_178 : vector<16xi1>, vector<16xi32>
      %add3A_199 = arith.constant 512 : i32
      %add3A_200 = arith.addi %rem3A_156, %add3A_199 : i32
      %mul3A_201 = arith.constant 16 : i32
      %mul3A_202 = vector.broadcast %mul3A_201 : i32 to vector<16xi32>
      %mul3A_203 = arith.muli %mul3A_202, %iota3A : vector<16xi32>
      %add3A_204 = vector.broadcast %add3A_200 : i32 to vector<16xi32>
      %add3A_205 = arith.addi %add3A_204, %mul3A_203 : vector<16xi32>
      %lt3A_206 = arith.constant 1000 : i32
      %lt3A_207 = vector.broadcast %lt3A_206 : i32 to vector<16xi32>
      %lt3A_208 = arith.cmpi slt, %add3A_205, %lt3A_207 : vector<16xi32>
      %broadcast_in_dim3A_209 = vector.broadcast %sub3A_80 : i32 to vector<16xi32>
      %gather3A_210 = tpu.vector_load_idx %arg6[%broadcast_in_dim3A_209, %add3A_205] masked %lt3A_208 : memref<8x1000xf32, #tpu.memory_space<vmem>>[vector<16xi32>, vector<16xi32>], vector<16xf32>, vector<16xi1>
      %jit3A_211 = arith.constant 0xFF800000 : f32
      %broadcast_in_dim3A_212 = vector.broadcast %jit3A_211 : f32 to vector<16xf32>
      %select_n3A_213 = arith.select %lt3A_208, %gather3A_210, %broadcast_in_dim3A_212 : vector<16xi1>, vector<16xf32>
      %gt3A_214 = arith.cmpf ogt, %select_n3A_213, %select_n3A_195 : vector<16xf32>
      %select_n3A_215 = arith.select %gt3A_214, %select_n3A_213, %select_n3A_195 : vector<16xi1>, vector<16xf32>
      %jit3A_216 = arith.constant 2 : i32
      %broadcast_in_dim3A_217 = vector.broadcast %jit3A_216 : i32 to vector<16xi32>
      %select_n3A_218 = arith.select %gt3A_214, %broadcast_in_dim3A_217, %select_n3A_198 : vector<16xi1>, vector<16xi32>
      %add3A_219 = arith.constant 768 : i32
      %add3A_220 = arith.addi %rem3A_156, %add3A_219 : i32
      %mul3A_221 = arith.constant 16 : i32
      %mul3A_222 = vector.broadcast %mul3A_221 : i32 to vector<16xi32>
      %mul3A_223 = arith.muli %mul3A_222, %iota3A : vector<16xi32>
      %add3A_224 = vector.broadcast %add3A_220 : i32 to vector<16xi32>
      %add3A_225 = arith.addi %add3A_224, %mul3A_223 : vector<16xi32>
      %lt3A_226 = arith.constant 1000 : i32
      %lt3A_227 = vector.broadcast %lt3A_226 : i32 to vector<16xi32>
      %lt3A_228 = arith.cmpi slt, %add3A_225, %lt3A_227 : vector<16xi32>
      %broadcast_in_dim3A_229 = vector.broadcast %sub3A_80 : i32 to vector<16xi32>
      %gather3A_230 = tpu.vector_load_idx %arg6[%broadcast_in_dim3A_229, %add3A_225] masked %lt3A_228 : memref<8x1000xf32, #tpu.memory_space<vmem>>[vector<16xi32>, vector<16xi32>], vector<16xf32>, vector<16xi1>
      %jit3A_231 = arith.constant 0xFF800000 : f32
      %broadcast_in_dim3A_232 = vector.broadcast %jit3A_231 : f32 to vector<16xf32>
      %select_n3A_233 = arith.select %lt3A_228, %gather3A_230, %broadcast_in_dim3A_232 : vector<16xi1>, vector<16xf32>
      %gt3A_234 = arith.cmpf ogt, %select_n3A_233, %select_n3A_215 : vector<16xf32>
      %select_n3A_235 = arith.select %gt3A_234, %select_n3A_233, %select_n3A_215 : vector<16xi1>, vector<16xf32>
      %jit3A_236 = arith.constant 3 : i32
      %broadcast_in_dim3A_237 = vector.broadcast %jit3A_236 : i32 to vector<16xi32>
      %select_n3A_238 = arith.select %gt3A_234, %broadcast_in_dim3A_237, %select_n3A_218 : vector<16xi1>, vector<16xi32>
      %reduce_max3A_239 = arith.constant true
      %reduce_max3A_240 = vector.broadcast %reduce_max3A_239 : i1 to vector<16xi1>
      %reduce_max3A_241 = tpu.scan <max>, %select_n3A_235 masked %reduce_max3A_240 : vector<16xf32>, vector<16xi1> -> vector<16xf32>
      %reduce_max3A_242 = vector.extract %reduce_max3A_241[15] : f32 from vector<16xf32>
      %eq3A_243 = vector.broadcast %reduce_max3A_242 : f32 to vector<16xf32>
      %eq3A_244 = arith.cmpf oeq, %select_n3A_235, %eq3A_243 : vector<16xf32>
      %mul3A_245 = arith.constant 16 : i32
      %mul3A_246 = vector.broadcast %mul3A_245 : i32 to vector<16xi32>
      %mul3A_247 = arith.muli %select_n3A_238, %mul3A_246 : vector<16xi32>
      %add3A_248 = arith.addi %mul3A_247, %iota3A : vector<16xi32>
      %jit3A_249 = arith.constant 1073741824 : i32
      %broadcast_in_dim3A_250 = vector.broadcast %jit3A_249 : i32 to vector<16xi32>
      %select_n3A_251 = arith.select %eq3A_244, %add3A_248, %broadcast_in_dim3A_250 : vector<16xi1>, vector<16xi32>
      %reduce_min3A_252 = arith.constant true
      %reduce_min3A_253 = vector.broadcast %reduce_min3A_252 : i1 to vector<16xi1>
      %reduce_min3A_254 = arith.constant -2147483648 : i32
      %reduce_min3A_255 = vector.broadcast %reduce_min3A_254 : i32 to vector<16xi32>
      %reduce_min3A_256 = arith.xori %select_n3A_251, %reduce_min3A_255 : vector<16xi32>
      %reduce_min3A_257 = tpu.scan <min>, %reduce_min3A_256 masked %reduce_min3A_253 : vector<16xi32>, vector<16xi1> -> vector<16xi32>
      %reduce_min3A_258 = arith.xori %reduce_min3A_257, %reduce_min3A_255 : vector<16xi32>
      %reduce_min3A_259 = vector.extract %reduce_min3A_258[15] : i32 from vector<16xi32>
      %eq3A_260 = vector.broadcast %rem3A_156 : i32 to vector<16xi32>
      %eq3A_261 = arith.cmpi eq, %iota3A, %eq3A_260 : vector<16xi32>
      %broadcast_in_dim3A_262 = vector.broadcast %reduce_max3A_242 : f32 to vector<16xf32>
      %select_n3A_263 = arith.select %eq3A_261, %broadcast_in_dim3A_262, %scan3A_121 : vector<16xi1>, vector<16xf32>
      %broadcast_in_dim3A_264 = vector.broadcast %reduce_min3A_259 : i32 to vector<16xi32>
      %select_n3A_265 = arith.select %eq3A_261, %broadcast_in_dim3A_264, %scan3A_122 : vector<16xi1>, vector<16xi32>
      scf.yield %select_n3A_263, %select_n3A_265 : vector<16xf32>, vector<16xi32>
    }
    %scan3A_96 = arith.constant 25 : i32
    "tpu.region"() ({
      %run_scoped3A = tpu.sem_alloc : memref<!tpu.dma_semaphore, #tpu.memory_space<semaphore_mem>>
      %dma_start3A = arith.constant 0 : i32
      %dma_start3A_120 = tpu.memref_slice %arg12[%arg1, %dma_start3A] : memref<16x128xi32, #tpu.memory_space<vmem_shared>> -> memref<1x128xi32, #tpu.memory_space<vmem_shared>>
      %dma_start3A_121 = tpu.memref_squeeze %dma_start3A_120 : memref<1x128xi32, #tpu.memory_space<vmem_shared>> -> memref<128xi32, #tpu.memory_space<vmem_shared>>
      %dma_start3A_122 = arith.constant 0 : i32
      %dma_start3A_123 = tpu.memref_slice %arg12[%arg1, %dma_start3A_122] : memref<16x128xi32, #tpu.memory_space<vmem_shared>> -> memref<1x128xi32, #tpu.memory_space<vmem_shared>>
      %dma_start3A_124 = tpu.memref_squeeze %dma_start3A_123 : memref<1x128xi32, #tpu.memory_space<vmem_shared>> -> memref<128xi32, #tpu.memory_space<vmem_shared>>
      tpu.enqueue_dma source(%arg7 : memref<128xi32, #tpu.memory_space<vmem>>) target(%dma_start3A_124 : memref<128xi32, #tpu.memory_space<vmem_shared>>) target_semaphore(%run_scoped3A : memref<!tpu.dma_semaphore, #tpu.memory_space<semaphore_mem>>)
      %dma_wait3A = arith.constant 0 : i32
      %dma_wait3A_125 = tpu.memref_slice %arg12[%arg1, %dma_wait3A] : memref<16x128xi32, #tpu.memory_space<vmem_shared>> -> memref<1x128xi32, #tpu.memory_space<vmem_shared>>
      %dma_wait3A_126 = tpu.memref_squeeze %dma_wait3A_125 : memref<1x128xi32, #tpu.memory_space<vmem_shared>> -> memref<128xi32, #tpu.memory_space<vmem_shared>>
      %dma_wait3A_127 = arith.constant 0 : i32
      %dma_wait3A_128 = tpu.memref_slice %arg12[%arg1, %dma_wait3A_127] : memref<16x128xi32, #tpu.memory_space<vmem_shared>> -> memref<1x128xi32, #tpu.memory_space<vmem_shared>>
      %dma_wait3A_129 = tpu.memref_squeeze %dma_wait3A_128 : memref<1x128xi32, #tpu.memory_space<vmem_shared>> -> memref<128xi32, #tpu.memory_space<vmem_shared>>
      tpu.wait_dma2 semaphore(%run_scoped3A : memref<!tpu.dma_semaphore, #tpu.memory_space<semaphore_mem>>) src(%arg7 : memref<128xi32, #tpu.memory_space<vmem>>) dst(%dma_wait3A_129 : memref<128xi32, #tpu.memory_space<vmem_shared>>)
      tpu.yield
    }) : () -> ()
    %barrier3A = arith.constant 0 : index
    tpu.barrier barrier_id(%barrier3A)
    "tpu.region"() ({
      %run_scoped3A = tpu.sem_alloc : memref<!tpu.dma_semaphore, #tpu.memory_space<semaphore_mem>>
      tpu.enqueue_dma source(%arg12 : memref<16x128xi32, #tpu.memory_space<vmem_shared>>) target(%arg8 : memref<16x128xi32, #tpu.memory_space<vmem>>) target_semaphore(%run_scoped3A : memref<!tpu.dma_semaphore, #tpu.memory_space<semaphore_mem>>)
      tpu.wait_dma2 semaphore(%run_scoped3A : memref<!tpu.dma_semaphore, #tpu.memory_space<semaphore_mem>>) src(%arg12 : memref<16x128xi32, #tpu.memory_space<vmem_shared>>) dst(%arg8 : memref<16x128xi32, #tpu.memory_space<vmem>>)
      tpu.yield
    }) : () -> ()
    "tpu.region"() ({
      %run_scoped3A = tpu.sem_alloc : memref<!tpu.dma_semaphore, #tpu.memory_space<semaphore_mem>>
      %dma_start3A = arith.constant 0 : i32
      %dma_start3A_120 = tpu.memref_slice %arg2[%mul3A_5, %dma_start3A] : memref<64x784xf32, #tpu.memory_space<hbm>> -> memref<8x784xf32, #tpu.memory_space<hbm>>
      %dma_start3A_121 = arith.constant 0 : i32
      %dma_start3A_122 = tpu.memref_slice %arg2[%mul3A_5, %dma_start3A_121] : memref<64x784xf32, #tpu.memory_space<hbm>> -> memref<8x784xf32, #tpu.memory_space<hbm>>
      tpu.enqueue_dma source(%dma_start3A_122 : memref<8x784xf32, #tpu.memory_space<hbm>>) target(%arg10 : memref<8x784xf32, #tpu.memory_space<vmem>>) target_semaphore(%run_scoped3A : memref<!tpu.dma_semaphore, #tpu.memory_space<semaphore_mem>>)
      %dma_wait3A = arith.constant 0 : i32
      %dma_wait3A_123 = tpu.memref_slice %arg2[%mul3A_5, %dma_wait3A] : memref<64x784xf32, #tpu.memory_space<hbm>> -> memref<8x784xf32, #tpu.memory_space<hbm>>
      %dma_wait3A_124 = arith.constant 0 : i32
      %dma_wait3A_125 = tpu.memref_slice %arg2[%mul3A_5, %dma_wait3A_124] : memref<64x784xf32, #tpu.memory_space<hbm>> -> memref<8x784xf32, #tpu.memory_space<hbm>>
      tpu.wait_dma2 semaphore(%run_scoped3A : memref<!tpu.dma_semaphore, #tpu.memory_space<semaphore_mem>>) src(%dma_wait3A_125 : memref<8x784xf32, #tpu.memory_space<hbm>>) dst(%arg10 : memref<8x784xf32, #tpu.memory_space<vmem>>)
      tpu.yield
    }) : () -> ()
    %broadcast_in_dim3A_97 = arith.constant 0.000000e+00 : f32
    %broadcast_in_dim3A_98 = vector.broadcast %broadcast_in_dim3A_97 : f32 to vector<16xf32>
    %scan3A_99 = arith.constant 0 : i32
    %scan3A_100 = arith.constant 49 : i32
    %scan3A_101 = arith.addi %scan3A_99, %scan3A_100 : i32
    %scan3A_102 = arith.constant 1 : i32
    %scan3A_103 = scf.for %scan3A_120 = %scan3A_99 to %scan3A_101 step %scan3A_102 iter_args(%scan3A_121 = %broadcast_in_dim3A_98) -> (vector<16xf32>)  : i32 {
      %add3A_122 = arith.constant 0 : i32
      %add3A_123 = arith.addi %add3A, %add3A_122 : i32
      %sub3A_124 = arith.subi %add3A_123, %mul3A_5 : i32
      %broadcast_in_dim3A_125 = vector.broadcast %sub3A_124 : i32 to vector<16xi32>
      %mul3A_126 = arith.constant 16 : i32
      %mul3A_127 = arith.muli %scan3A_120, %mul3A_126 : i32
      %add3A_128 = vector.broadcast %mul3A_127 : i32 to vector<16xi32>
      %add3A_129 = arith.addi %add3A_128, %iota3A : vector<16xi32>
      %gather3A = tpu.vector_load_idx %arg10[%broadcast_in_dim3A_125, %add3A_129] : memref<8x784xf32, #tpu.memory_space<vmem>>[vector<16xi32>, vector<16xi32>], vector<16xf32>,
      %add3A_130 = arith.addf %scan3A_121, %gather3A : vector<16xf32>
      %add3A_131 = arith.constant 1 : i32
      %add3A_132 = arith.addi %add3A, %add3A_131 : i32
      %sub3A_133 = arith.subi %add3A_132, %mul3A_5 : i32
      %broadcast_in_dim3A_134 = vector.broadcast %sub3A_133 : i32 to vector<16xi32>
      %mul3A_135 = arith.constant 16 : i32
      %mul3A_136 = arith.muli %scan3A_120, %mul3A_135 : i32
      %add3A_137 = vector.broadcast %mul3A_136 : i32 to vector<16xi32>
      %add3A_138 = arith.addi %add3A_137, %iota3A : vector<16xi32>
      %gather3A_139 = tpu.vector_load_idx %arg10[%broadcast_in_dim3A_134, %add3A_138] : memref<8x784xf32, #tpu.memory_space<vmem>>[vector<16xi32>, vector<16xi32>], vector<16xf32>,
      %add3A_140 = arith.addf %add3A_130, %gather3A_139 : vector<16xf32>
      scf.yield %add3A_140 : vector<16xf32>
    }
    %scan3A_104 = arith.constant 49 : i32
    %mul3A_105 = arith.constant 32 : i32
    %mul3A_106 = arith.muli %mul3A_105, %arg0 : i32
    %mul3A_107 = arith.constant 49 : i32
    %mul3A_108 = arith.muli %arg1, %mul3A_107 : i32
    %scan3A_109 = arith.constant 0 : i32
    %scan3A_110 = arith.constant 49 : i32
    %scan3A_111 = arith.addi %scan3A_109, %scan3A_110 : i32
    %scan3A_112 = arith.constant 1 : i32
    %scan3A_113 = scf.for %scan3A_120 = %scan3A_109 to %scan3A_111 step %scan3A_112 iter_args(%scan3A_121 = %scan3A_103) -> (vector<16xf32>)  : i32 {
      %add3A_122 = arith.addi %mul3A_108, %scan3A_120 : i32
      "tpu.region"() ({
        %run_scoped3A = tpu.sem_alloc : memref<!tpu.dma_semaphore, #tpu.memory_space<semaphore_mem>>
        %dma_start3A = arith.constant 0 : i32
        %dma_start3A_129 = tpu.memref_slice %arg4[%add3A_122, %mul3A_106, %dma_start3A] : memref<784x64x1000xf32, #tpu.memory_space<hbm>> -> memref<1x32x1000xf32, #tpu.memory_space<hbm>>
        %dma_start3A_130 = tpu.memref_squeeze %dma_start3A_129 : memref<1x32x1000xf32, #tpu.memory_space<hbm>> -> memref<32x1000xf32, #tpu.memory_space<hbm>>
        %dma_start3A_131 = arith.constant 0 : i32
        %dma_start3A_132 = tpu.memref_slice %arg4[%add3A_122, %mul3A_106, %dma_start3A_131] : memref<784x64x1000xf32, #tpu.memory_space<hbm>> -> memref<1x32x1000xf32, #tpu.memory_space<hbm>>
        %dma_start3A_133 = tpu.memref_squeeze %dma_start3A_132 : memref<1x32x1000xf32, #tpu.memory_space<hbm>> -> memref<32x1000xf32, #tpu.memory_space<hbm>>
        tpu.enqueue_dma source(%dma_start3A_133 : memref<32x1000xf32, #tpu.memory_space<hbm>>) target(%arg9 : memref<32x1000xf32, #tpu.memory_space<vmem>>) target_semaphore(%run_scoped3A : memref<!tpu.dma_semaphore, #tpu.memory_space<semaphore_mem>>)
        %dma_wait3A = arith.constant 0 : i32
        %dma_wait3A_134 = tpu.memref_slice %arg4[%add3A_122, %mul3A_106, %dma_wait3A] : memref<784x64x1000xf32, #tpu.memory_space<hbm>> -> memref<1x32x1000xf32, #tpu.memory_space<hbm>>
        %dma_wait3A_135 = tpu.memref_squeeze %dma_wait3A_134 : memref<1x32x1000xf32, #tpu.memory_space<hbm>> -> memref<32x1000xf32, #tpu.memory_space<hbm>>
        %dma_wait3A_136 = arith.constant 0 : i32
        %dma_wait3A_137 = tpu.memref_slice %arg4[%add3A_122, %mul3A_106, %dma_wait3A_136] : memref<784x64x1000xf32, #tpu.memory_space<hbm>> -> memref<1x32x1000xf32, #tpu.memory_space<hbm>>
        %dma_wait3A_138 = tpu.memref_squeeze %dma_wait3A_137 : memref<1x32x1000xf32, #tpu.memory_space<hbm>> -> memref<32x1000xf32, #tpu.memory_space<hbm>>
        tpu.wait_dma2 semaphore(%run_scoped3A : memref<!tpu.dma_semaphore, #tpu.memory_space<semaphore_mem>>) src(%dma_wait3A_138 : memref<32x1000xf32, #tpu.memory_space<hbm>>) dst(%arg9 : memref<32x1000xf32, #tpu.memory_space<vmem>>)
        tpu.yield
      }) : () -> ()
      %scan3A_123 = arith.constant 0 : i32
      %scan3A_124 = arith.constant 16 : i32
      %scan3A_125 = arith.addi %scan3A_123, %scan3A_124 : i32
      %scan3A_126 = arith.constant 1 : i32
      %scan3A_127 = scf.for %scan3A_129 = %scan3A_123 to %scan3A_125 step %scan3A_126 iter_args(%scan3A_130 = %scan3A_121) -> (vector<16xf32>)  : i32 {
        %broadcast_in_dim3A_131 = vector.broadcast %scan3A_129 : i32 to vector<16xi32>
        %add3A_132 = arith.constant 0 : i32
        %add3A_133 = vector.broadcast %add3A_132 : i32 to vector<16xi32>
        %add3A_134 = arith.addi %add3A_133, %iota3A : vector<16xi32>
        %lt3A_135 = arith.constant 44 : i32
        %lt3A_136 = vector.broadcast %lt3A_135 : i32 to vector<16xi32>
        %lt3A_137 = arith.cmpi slt, %add3A_134, %lt3A_136 : vector<16xi32>
        %add3A_138 = arith.constant 0 : i32
        %add3A_139 = vector.broadcast %add3A_138 : i32 to vector<16xi32>
        %add3A_140 = arith.addi %add3A_139, %iota3A : vector<16xi32>
        %gather3A = tpu.vector_load_idx %arg8[%broadcast_in_dim3A_131, %add3A_140] : memref<16x128xi32, #tpu.memory_space<vmem>>[vector<16xi32>, vector<16xi32>], vector<16xi32>,
        %add3A_141 = arith.constant 64 : i32
        %add3A_142 = vector.broadcast %add3A_141 : i32 to vector<16xi32>
        %add3A_143 = arith.addi %add3A_142, %iota3A : vector<16xi32>
        %gather3A_144 = tpu.vector_load_idx %arg8[%broadcast_in_dim3A_131, %add3A_143] : memref<16x128xi32, #tpu.memory_space<vmem>>[vector<16xi32>, vector<16xi32>], vector<16xi32>,
        %gather3A_145 = tpu.vector_load_idx %arg9[%gather3A, %gather3A_144] masked %lt3A_137 : memref<32x1000xf32, #tpu.memory_space<vmem>>[vector<16xi32>, vector<16xi32>], vector<16xf32>, vector<16xi1>
        %jit3A_146 = arith.constant 0.000000e+00 : f32
        %broadcast_in_dim3A_147 = vector.broadcast %jit3A_146 : f32 to vector<16xf32>
        %select_n3A_148 = arith.select %lt3A_137, %gather3A_145, %broadcast_in_dim3A_147 : vector<16xi1>, vector<16xf32>
        %add3A_149 = arith.addf %scan3A_130, %select_n3A_148 : vector<16xf32>
        %add3A_150 = arith.constant 16 : i32
        %add3A_151 = vector.broadcast %add3A_150 : i32 to vector<16xi32>
        %add3A_152 = arith.addi %add3A_151, %iota3A : vector<16xi32>
        %lt3A_153 = arith.constant 44 : i32
        %lt3A_154 = vector.broadcast %lt3A_153 : i32 to vector<16xi32>
        %lt3A_155 = arith.cmpi slt, %add3A_152, %lt3A_154 : vector<16xi32>
        %add3A_156 = arith.constant 16 : i32
        %add3A_157 = vector.broadcast %add3A_156 : i32 to vector<16xi32>
        %add3A_158 = arith.addi %add3A_157, %iota3A : vector<16xi32>
        %gather3A_159 = tpu.vector_load_idx %arg8[%broadcast_in_dim3A_131, %add3A_158] : memref<16x128xi32, #tpu.memory_space<vmem>>[vector<16xi32>, vector<16xi32>], vector<16xi32>,
        %add3A_160 = arith.constant 80 : i32
        %add3A_161 = vector.broadcast %add3A_160 : i32 to vector<16xi32>
        %add3A_162 = arith.addi %add3A_161, %iota3A : vector<16xi32>
        %gather3A_163 = tpu.vector_load_idx %arg8[%broadcast_in_dim3A_131, %add3A_162] : memref<16x128xi32, #tpu.memory_space<vmem>>[vector<16xi32>, vector<16xi32>], vector<16xi32>,
        %gather3A_164 = tpu.vector_load_idx %arg9[%gather3A_159, %gather3A_163] masked %lt3A_155 : memref<32x1000xf32, #tpu.memory_space<vmem>>[vector<16xi32>, vector<16xi32>], vector<16xf32>, vector<16xi1>
        %jit3A_165 = arith.constant 0.000000e+00 : f32
        %broadcast_in_dim3A_166 = vector.broadcast %jit3A_165 : f32 to vector<16xf32>
        %select_n3A_167 = arith.select %lt3A_155, %gather3A_164, %broadcast_in_dim3A_166 : vector<16xi1>, vector<16xf32>
        %add3A_168 = arith.addf %add3A_149, %select_n3A_167 : vector<16xf32>
        %add3A_169 = arith.constant 32 : i32
        %add3A_170 = vector.broadcast %add3A_169 : i32 to vector<16xi32>
        %add3A_171 = arith.addi %add3A_170, %iota3A : vector<16xi32>
        %lt3A_172 = arith.constant 44 : i32
        %lt3A_173 = vector.broadcast %lt3A_172 : i32 to vector<16xi32>
        %lt3A_174 = arith.cmpi slt, %add3A_171, %lt3A_173 : vector<16xi32>
        %add3A_175 = arith.constant 32 : i32
        %add3A_176 = vector.broadcast %add3A_175 : i32 to vector<16xi32>
        %add3A_177 = arith.addi %add3A_176, %iota3A : vector<16xi32>
        %gather3A_178 = tpu.vector_load_idx %arg8[%broadcast_in_dim3A_131, %add3A_177] : memref<16x128xi32, #tpu.memory_space<vmem>>[vector<16xi32>, vector<16xi32>], vector<16xi32>,
        %add3A_179 = arith.constant 96 : i32
        %add3A_180 = vector.broadcast %add3A_179 : i32 to vector<16xi32>
        %add3A_181 = arith.addi %add3A_180, %iota3A : vector<16xi32>
        %gather3A_182 = tpu.vector_load_idx %arg8[%broadcast_in_dim3A_131, %add3A_181] : memref<16x128xi32, #tpu.memory_space<vmem>>[vector<16xi32>, vector<16xi32>], vector<16xi32>,
        %gather3A_183 = tpu.vector_load_idx %arg9[%gather3A_178, %gather3A_182] masked %lt3A_174 : memref<32x1000xf32, #tpu.memory_space<vmem>>[vector<16xi32>, vector<16xi32>], vector<16xf32>, vector<16xi1>
        %jit3A_184 = arith.constant 0.000000e+00 : f32
        %broadcast_in_dim3A_185 = vector.broadcast %jit3A_184 : f32 to vector<16xf32>
        %select_n3A_186 = arith.select %lt3A_174, %gather3A_183, %broadcast_in_dim3A_185 : vector<16xi1>, vector<16xf32>
        %add3A_187 = arith.addf %add3A_168, %select_n3A_186 : vector<16xf32>
        scf.yield %add3A_187 : vector<16xf32>
      }
      %scan3A_128 = arith.constant 16 : i32
      scf.yield %scan3A_127 : vector<16xf32>
    }
    %scan3A_114 = arith.constant 49 : i32
    %mul3A_115 = arith.constant 1.99298465E-5 : f32
    %mul3A_116 = vector.broadcast %mul3A_115 : f32 to vector<16xf32>
    %mul3A_117 = arith.mulf %scan3A_113, %mul3A_116 : vector<16xf32>
    %swap3A_118 = arith.constant 0 : index
    %swap3A_119 = tpu.vector_load %arg11[%swap3A_118] {strides = array<i32>} : memref<16xf32, #tpu.memory_space<vmem>>, vector<16xf32>,
    tpu.vector_store %arg11[%swap3A_118], %mul3A_117 {strides = array<i32>} : memref<16xf32, #tpu.memory_space<vmem>>, vector<16xf32>,
    "tpu.region"() ({
      %run_scoped3A = tpu.sem_alloc : memref<!tpu.dma_semaphore, #tpu.memory_space<semaphore_mem>>
      %dma_start3A = arith.constant 0 : i32
      %dma_start3A_120 = tpu.memref_slice %arg5[%arg0, %arg1, %dma_start3A] : memref<2x16x16xf32, #tpu.memory_space<hbm>> -> memref<1x1x16xf32, #tpu.memory_space<hbm>>
      %dma_start3A_121 = tpu.memref_squeeze %dma_start3A_120 : memref<1x1x16xf32, #tpu.memory_space<hbm>> -> memref<16xf32, #tpu.memory_space<hbm>>
      %dma_start3A_122 = arith.constant 0 : i32
      %dma_start3A_123 = tpu.memref_slice %arg5[%arg0, %arg1, %dma_start3A_122] : memref<2x16x16xf32, #tpu.memory_space<hbm>> -> memref<1x1x16xf32, #tpu.memory_space<hbm>>
      %dma_start3A_124 = tpu.memref_squeeze %dma_start3A_123 : memref<1x1x16xf32, #tpu.memory_space<hbm>> -> memref<16xf32, #tpu.memory_space<hbm>>
      tpu.enqueue_dma source(%arg11 : memref<16xf32, #tpu.memory_space<vmem>>) target(%dma_start3A_124 : memref<16xf32, #tpu.memory_space<hbm>>) target_semaphore(%run_scoped3A : memref<!tpu.dma_semaphore, #tpu.memory_space<semaphore_mem>>)
      %dma_wait3A = arith.constant 0 : i32
      %dma_wait3A_125 = tpu.memref_slice %arg5[%arg0, %arg1, %dma_wait3A] : memref<2x16x16xf32, #tpu.memory_space<hbm>> -> memref<1x1x16xf32, #tpu.memory_space<hbm>>
      %dma_wait3A_126 = tpu.memref_squeeze %dma_wait3A_125 : memref<1x1x16xf32, #tpu.memory_space<hbm>> -> memref<16xf32, #tpu.memory_space<hbm>>
      %dma_wait3A_127 = arith.constant 0 : i32
      %dma_wait3A_128 = tpu.memref_slice %arg5[%arg0, %arg1, %dma_wait3A_127] : memref<2x16x16xf32, #tpu.memory_space<hbm>> -> memref<1x1x16xf32, #tpu.memory_space<hbm>>
      %dma_wait3A_129 = tpu.memref_squeeze %dma_wait3A_128 : memref<1x1x16xf32, #tpu.memory_space<hbm>> -> memref<16xf32, #tpu.memory_space<hbm>>
      tpu.wait_dma2 semaphore(%run_scoped3A : memref<!tpu.dma_semaphore, #tpu.memory_space<semaphore_mem>>) src(%arg11 : memref<16xf32, #tpu.memory_space<vmem>>) dst(%dma_wait3A_129 : memref<16xf32, #tpu.memory_space<hbm>>)
      tpu.yield
    }) : () -> ()
    return
  }
}

</mosaic_0001>

<sc_bundles>
// kernel: kernel.3.cloned.1.call-start
scs
__scs_entry_jumppad:
0x0: {  	(pc) =	sbr.rel $0x88, $3  }
0x1: {  	(tag) =	ssettag $0x0;
	lr =	simm.s32 $0x1  }
0x2: {  	[smem:$0x3F9E] =	sst lr;
	_ =	strace $0xD0000000  }
0x3: {  	_ = 	snop  }
0x4: {  	_ = 	snop  }
0x5: {  	_ = 	snop  }
0x6: {  	_ = 	snop  }
0x7: {  	_ = 	snop  }
__scs_overlays_trampoline_lowered:
0x8: {  	[smem:$0x3FAD] =	sst s0  }
0x9: {  	[smem:$0x3FAE] =	sst s1  }
0xa: {  	[smem:$0x3FAF] =	sst s2  }
0xb: {  	[smem:$0x3FB0] =	sst s3  }
0xc: {  	[smem:$0x3FB1] =	sst s4  }
0xd: {  	[smem:$0x3FB2] =	sst s5  }
0xe: {  	[smem:$0x3FB3] =	sst s6  }
0xf: {  	[smem:$0x3FB4] =	sst s7  }
0x10: {  	[smem:$0x3FB5] =	sst s8  }
0x11: {  	[smem:$0x3FB6] =	sst s9;
	s0 =	simm.s32 @!p0 $0x0  }
0x12: {  	s1 =	sld [smem:$0x3F9C];
	s0 =	simm.s32 @p0 $0x1  }
0x13: {  	[smem:$0x3FB7] =	sst s0;
	s0 =	simm.s32 @!p1 $0x0  }
0x14: {  	s2 =	sld [smem:$0x3F9B];
	s0 =	simm.s32 @p1 $0x1  }
0x15: {  	[smem:$0x3FB8] =	sst s0;
	s0 =	simm.s32 @!p2 $0x0  }
0x16: {  	s3 =	sld [smem:$0x3FDB];
	s0 =	simm.s32 @p2 $0x1  }
0x17: {  	s4 =	simm.s32 $0x1BF5;
	[smem:$0x3FBA] =	sst s0  }
0x18: {  	s0 =	sld [smem:$0x3F9D];
	_ =	swait.ge [sflag:s4], $0x0  }
0x19: {  	s7 =	sld [smem:$0x3F9E]  }
0x1a: {  	s8 =	sadd.s32 $0xFFFFE003, lr  }
0x1b: {  	s9 =	sadd.s32 $0xFFFFFEF7, lr;
	s5 =	simm.s32 $0xFFFFFFFF;
	p2 =	slt.u32 s8, $0xFFFFF086  }
0x1c: {  	p1 =	slt.u32 s9, $0xF7A;
	s5 =	simm.s32 @!p2 $0x0  }
0x1d: {  	s5 =	simm.s32 @p1 $0x1;
	p0 =	seq.s32 s7, s2  }
0x1e: {  	s7 =	smul.u32 @!p0 $0xF7A, s2;
	p2 =	seq.s32 @!p0 s5, $0x0  }
0x1f: {  	s9 =	smul.u32 $0xF7A, s1;
	s8 =	simm.s32 @!p0 $0x1BF5;
	p2 =	por !p2, p0  }
0x20: {  	[sflag:s8] =	ssyncset.s32 @!p0 $0xFFFFF086;
	s6 =	sadd.s32 @!p0 s3, s7;
	s7 =	simm.s32 @!p0 $0x108  }
0x21: {  	s3 =	sadd.s32 s3, s9;
	s6 =	sadd.s32 @!p0 $0x88, s6;
	s7 =	simm.s32 @p2 $0x1082  }
0x22: {  	[simem:s7], [sflag:s8] =	dma.local @!p0 [hbm:s6], $0xF7A  }
0x23: {  	s9 =	sor.u32 $0xD0000000, s2;
	s6 =	simm.s32 $0x108;
	_ =	swait.ge @!p0 [sflag:s8], $0x0  }
0x24: {  	s3 =	sadd.s32 $0x88, s3;
	s6 =	simm.s32 @!p1 $0x1082;
	[sflag:s4] =	ssyncset.s32 $0xFFFFF086  }
0x25: {  	[simem:s6], [sflag:s4] =	dma.local [hbm:s3], $0xF7A  }
0x26: {  	[smem:$0x3F9E] =	sst s1;
	(tag) =	ssettag s2;
	_ =	strace s9  }
0x27: {  	s1 =	sld [smem:$0x3FAE]  }
0x28: {  	s2 =	sld [smem:$0x3FAF]  }
0x29: {  	s4 =	sld [smem:$0x3FB1]  }
0x2a: {  	p0 =	seq.s32 s5, $0x0;
	s5 =	sld [smem:$0x3FB2]  }
0x2b: {  	s6 =	sld [smem:$0x3FB3]  }
0x2c: {  	s7 =	sld [smem:$0x3FB4]  }
0x2d: {  	s3 =	simm.s32 $0x108;
	s8 =	sld [smem:$0x3FB5]  }
0x2e: {  	s3 =	simm.s32 @!p0 $0x1082;
	s9 =	sld [smem:$0x3FB6]  }
0x2f: {  	lr =	sadd.s32 s0, s3;
	s0 =	sld [smem:$0x3FAD]  }
0x30: {  	s3 =	sld [smem:$0x3FB0]  }
0x31: {  	[smem:$0x3FB9] =	sst s10  }
0x32: {  	s10 =	sld [smem:$0x3FB7];
	_ =	sdelay $0x3  }
0x33: {  	p0 =	seq.s32 s10, $0x1;
	s10 =	sld [smem:$0x3FB9];
	_ =	sdelay $0x3  }
0x34: {  	[smem:$0x3FB9] =	sst s10  }
0x35: {  	s10 =	sld [smem:$0x3FB8];
	_ =	sdelay $0x3  }
0x36: {  	p1 =	seq.s32 s10, $0x1;
	s10 =	sld [smem:$0x3FB9];
	_ =	sdelay $0x3  }
0x37: {  	[smem:$0x3FB9] =	sst s10  }
0x38: {  	s10 =	sld [smem:$0x3FBA]  }
0x39: {  	_ = 	snop;
	(pc) =	sbr.ind lr, $3  }
0x3a: {  	_ = 	snop  }
0x3b: {  	_ = 	snop  }
0x3c: {  	p2 =	seq.s32 s10, $0x1;
	s10 =	sld [smem:$0x3FB9]  }
0x3d: {  	_ =	shalt  }
0x3e: {  	_ =	shalt  }
0x3f: {  	_ =	shalt  }
0x40: {  	_ =	shalt  }
0x41: {  	_ =	shalt  }
0x42: {  	_ =	shalt  }
0x43: {  	_ =	shalt  }
0x44: {  	_ =	shalt  }
0x45: {  	_ =	shalt  }
0x46: {  	_ =	shalt  }
0x47: {  	_ =	shalt  }
0x48: {  	_ =	shalt  }
0x49: {  	_ =	shalt  }
0x4a: {  	_ =	shalt  }
0x4b: {  	_ =	shalt  }
0x4c: {  	_ =	shalt  }
0x4d: {  	_ =	shalt  }
0x4e: {  	_ =	shalt  }
0x4f: {  	_ =	shalt  }
0x50: {  	_ =	shalt  }
0x51: {  	_ =	shalt  }
0x52: {  	_ =	shalt  }
0x53: {  	_ =	shalt  }
0x54: {  	_ =	shalt  }
0x55: {  	_ =	shalt  }
0x56: {  	_ =	shalt  }
0x57: {  	_ =	shalt  }
0x58: {  	_ =	shalt  }
0x59: {  	_ =	shalt  }
0x5a: {  	_ =	shalt  }
0x5b: {  	_ =	shalt  }
0x5c: {  	_ =	shalt  }
0x5d: {  	_ =	shalt  }
0x5e: {  	_ =	shalt  }
0x5f: {  	_ =	shalt  }
0x60: {  	_ =	shalt  }
0x61: {  	_ =	shalt  }
0x62: {  	_ =	shalt  }
0x63: {  	_ =	shalt  }
0x64: {  	_ =	shalt  }
0x65: {  	_ =	shalt  }
0x66: {  	_ =	shalt  }
0x67: {  	_ =	shalt  }
0x68: {  	_ =	shalt  }
0x69: {  	_ =	shalt  }
0x6a: {  	_ =	shalt  }
0x6b: {  	_ =	shalt  }
0x6c: {  	_ =	shalt  }
0x6d: {  	_ =	shalt  }
0x6e: {  	_ =	shalt  }
0x6f: {  	_ =	shalt  }
0x70: {  	_ =	shalt  }
0x71: {  	_ =	shalt  }
0x72: {  	_ =	shalt  }
0x73: {  	_ =	shalt  }
0x74: {  	_ =	shalt  }
0x75: {  	_ =	shalt  }
0x76: {  	_ =	shalt  }
0x77: {  	_ =	shalt  }
0x78: {  	_ =	shalt  }
0x79: {  	_ =	shalt  }
0x7a: {  	_ =	shalt  }
0x7b: {  	_ =	shalt  }
0x7c: {  	_ =	shalt  }
0x7d: {  	_ =	shalt  }
0x7e: {  	_ =	shalt  }
0x7f: {  	_ =	shalt  }
0x80: {  	_ =	shalt  }
0x81: {  	_ =	shalt  }
0x82: {  	_ =	shalt  }
0x83: {  	_ =	shalt  }
0x84: {  	_ =	shalt  }
0x85: {  	_ =	shalt  }
0x86: {  	_ =	shalt  }
0x87: {  	_ =	shalt  }
.Lfunc_end0:
.L_simem_size_0:
called_computation_lowered:
.L_overlay_start_0:
0x88: {  	s2 =	sld [smem:$0x3FD9]  }
0x89: {  	s3 =	sld [smem:$0x3FFE];
	_ =	sdelay $0x1  }
0x8a: {  	s1 =	srdreg.scid  }
0x8b: {  	s0 =	sand.u32 $0x1, s1  }
0x8c: {  	s17 =	sshll.u32 s0, $0xA;
	s2 =	sadd.s32 s3, s2  }
0x8d: {  	s2 =	sadd.s32 s2, s17  }
0x8e: {  	[smem:$0x3FC5] =	sst s2  }
0x8f: {  	_ = 	snop  }
0x90: {  	s2 =	sld [smem:$0x3FC8]  }
0x91: {  	s18 =	sld [smem:$0x3FC7];
	(tm) =	ssettm $0x1  }
0x92: {  	s4 =	sld [smem:$0x3FFB];
	_ =	sdelay $0x3  }
0x93: {  	_ =	strace s4  }
0x94: {  	s4 =	sld [smem:$0x3FFC];
	_ =	sdelay $0x3  }
0x95: {  	_ =	strace s4  }
0x96: {  	s4 =	sld [smem:$0x3FFD];
	_ =	sdelay $0x3  }
0x97: {  	_ =	strace s4  }
0x98: {  	_ =	strace $0x8FFFFFFF  }
0x99: {  	s19 =	sld [smem:$0x3FDB];
	_ =	sdelay $0x1  }
0x9a: {  	s5 =	simm.s32 $_scs_section_size  }
0x9b: {  	s6 =	simm.s32 $_size__tile_overlayer_lowered;
	s7 =	simm.s32 $_tile_overlayer_lowered  }
0x9c: {  	s22 =	simm.s32 $0x1BFF;
	s21 =	sshll.u32 s7, $0x1;
	s4 =	sadd.s32 s5, s19  }
0x9d: {  	s8 =	simm.s32 $0x0;
	s20 =	sshll.u32 s6, $0x1;
	s6 =	sadd.s32 s21, s4  }
0x9e: {  	[timem:s8], [sflag:s22] =	dma.local [hbm:s6], s20  }
0x9f: {  	_ =	swait.ge [sflag:s22], s20  }
0xa0: {  	s5 =	ssub.s32 $0x0, s20;
	[sflag:s22] =	ssyncset.done $0x0  }
0xa1: {  	[sflag:s22] =	ssyncadd.s32 s5;
	_ =	sdelay $0x1  }
0xa2: {  	s23 =	simm.s32 $0x1B8B  }
0xa3: {  	_ =	swait.ge [sflag:s23], $0x1  }
0xa4: {  	[sflag:s23] =	ssyncset.done $0x0  }
0xa5: {  	s25 =	simm.s32 $0x1B8E;
	s24 =	sld [smem:$0x3FFE];
	[sflag:s23] =	ssyncadd.s32 $0xFFFFFFFF  }
0xa6: {  	s26 =	simm.s32 $execute0_lowered;
	[smem:$0x3FD2] =	sst s25  }
0xa7: {  	s6 =	sshll.u32 s26, $0x1;
	_ =	strace $0x80000046;
	[dreg:$0x1] =	wrdreg $0xFFFFFFFF  }
0xa8: {  	s28 =	simm.s32 $_size_execute0_lowered;
	s4 =	sadd.s32 s4, s6;
	[dreg:$0x0] =	wrdreg $0x0  }
0xa9: {  	s6 =	sshll.u32 s28, $0x1;
	[dreg:$0x2] =	wrdreg s4  }
0xaa: {  	[dreg:$0x3] =	wrdreg s6  }
0xab: {  	[dreg:$0x4] =	wrdreg $0xC0  }
0xac: {  	_ =	task [dreg:s8], $0x5FFFF  }
0xad: {  	[dreg:$0x1] =	wrdreg $0xFFFFFFFF  }
0xae: {  	[dreg:$0x0] =	wrdreg $0x60  }
0xaf: {  	[dreg:$0x2] =	wrdreg s24  }
0xb0: {  	[dreg:$0x3] =	wrdreg s2  }
0xb1: {  	[dreg:$0x4] =	wrdreg s18  }
0xb2: {  	[dreg:$0x5] =	wrdreg $0xC5000  }
0xb3: {  	[dreg:$0x6] =	wrdreg $0x9  }
0xb4: {  	_ =	task.clear_ibuf [dreg:s8], $0x7FFFF;
	_ =	strace $0x90000046  }
0xb5: {  	s29 =	simm.s32 $0x9;
	_ =	strace $0x80000048  }
0xb6: {  	_ =	swait.ge [sflag:s29], $0x1  }
0xb7: {  	[sflag:s29] =	ssyncadd.s32 $0xFFFFFFFF  }
0xb8: {  	_ =	strace $0x90000048  }
0xb9: {  	_ =	sfence  }
0xba: {  	s30 =	sld [smem:$0x0];
	_ =	sdelay $0x2  }
0xbb: {  	s31 =	sshll.u32 s1, $0xD;
	s1 =	sshrl.u32 s1, $0x2  }
0xbc: {  	s3 =	sand.u32 $0x4000, s31;
	s1 =	sadd.s32 s1, s30  }
0xbd: {  	s0 =	sor.u32 s3, s0;
	s1 =	sshll.u32 s1, $0x11  }
0xbe: {  	s0 =	sor.u32 s1, s0  }
0xbf: {  	s0 =	sadd.s32 $0x8F2B, s0  }
0xc0: {  	[sflag:s0] =	ssyncadd.remote.s32 $0x1  }
0xc1: {  	_ =	sfence.sel $0xFFFF  }
0xc2: {  	[dreg:$0x0] =	wrdreg $0xFFFFFFFF;
	(pc) =	sbr.abs _section_cstart, $3  }
0xc3: {  	[dreg:$0x1] =	wrdreg $0xFFFFFFFF  }
0xc4: {  	_ =	task.clear_ibuf [dreg:s8], $0x2FFFF;
	_ =	strace $0x9FFFFFFF  }
0xc5: {  	(tm) =	ssettm $0x7FFFFFFF  }
tec
execute0_lowered:
.L_overlay_start_1:
0x0: {  	(tag) =	ssettag $0x1  }
0x1: {  	s6 =	rddreg [dreg:$0x0]  }
0x2: {  	s4 =	rddreg [dreg:$0x1]  }
0x3: {  	s8 =	rddreg [dreg:$0x2]  }
0x4: {  	s2 =	rddreg [dreg:$0x3]  }
0x5: {  	s0 =	rddreg [dreg:$0x4]  }
0x6: {  	s5 =	srdreg.scid;
	s3 =	simm.s32 $0x0;
	s1 =	stileid.u32  }
0x7: {  	s15 =	simm.s32 $0x2880;
	s16 =	simm.s32 $0xC480;
	s7 =	sand.u32 $0x1, s5  }
0x8: {  	s17 =	simm.s32 $0x0;
	s9 =	sshll.u32 s1, $0x1;
	s5 =	sshll.u32 s7, $0x5  }
0x9: {  	[smem:$0x7FF] =	sst s3;
	s11 =	sshllo.u32 s1, $0x1;
	s5 =	sor.u32 s9, s5  }
0xa: {  	vm0 =	vmmov $0x3f;
	vm1 =	vmxor vm1, vm1;
	vm2 =	vmmov $0x1;
	s13 =	sshll.u32 s1, $0x4;
	s10 =	sand.u32 $0x38, s5;
	s12 =	sor.u32 $0x1, s5  }
0xb: {  	v14 =	vimm.f32 $-Inf;
	s26 =	sshll.u32 s1, $0x7;
	_ =	strace $0x80000047;
	v0 =	vmov s9;
	v2 =	vmov s11;
	s10 =	ssub.s32 s12, s10  }
0xc: {  	s14 =	ssub.s32 $0x2, s7;
	s23 =	sadd.s32 s13, s6;
	s29 =	sshll.u32 s7, $0xC;
	v1 =	vsel vm0, s9, v2;
	vm0 =	vmmov $0xfff;
	v4 =	vmov s10  }
0xd: {  	s30 =	sshll.u32 s7, $0x8;
	s7 =	smul.u32 $0x31, s1;
	s11 =	simm.s32 $0x2000;
	v3 =	vshll.u32 v0, $0x7;
	v2 =	vnsel vm0, $0x0, v2;
	v5 =	vshrl.u32 v4, $0x3  }
0xe: {  	s13 =	simm.s32 $0x2080;
	s24 =	sshrl.u32 s14, $0x1;
	s31 =	sadd.s32 s30, s23;
	v3 =	vand.u32 $0x300, v3;
	v6 =	vshll.u32 v4, $0x7;
	v7 =	vmul.u32 $0x1C00, v5  }
0xf: {  	s8 =	sadd.s32 s8, s29;
	s5 =	sshrl.u32 s5, $0x3;
	s9 =	sadd.s32 $0x1C00, s31;
	v3 =	vbroadcast v3, $0x0;
	v5 =	vshll.u32 v4, $0xA;
	v4 =	vand.u32 $0x380, v6  }
0x10: {  	s25 =	sshll.u32 s5, $0xA;
	s28 =	smul.u32 $0x380, s5;
	s12 =	ssub.s32 s14, s24;
	v5 =	vand.u32 $0xFFFFE000, v5;
	v6 =	vor.u32 v4, v7;
	v7 =	vlaneseq.u32  }
0x11: {  	s5 =	sadd.s32 s26, s2;
	s14 =	simm.s32 $0xA880;
	s4 =	sadd.s32 s4, s25;
	v8 =	vor.u32 v4, v5;
	v9 =	vor.u32 $0x80000000, v7;
	v10 =	vor.u32 $0x80000010, v7  }
0x12: {  	s10 =	smax.u32 s12, $0x1;
	s12 =	simm.s32 $0x1;
	s6 =	sadd.s32 s6, s28;
	v11 =	vor.u32 $0x80000020, v7;
	v12 =	vmul.u32 $0x10, v7;
	v13 =	vor.u32 $0x80000030, v7  }
.LBB2_1:
0x13: {  	[tilespmem:$0x2000] =	vst v0  }
0x14: {  	[tilespmem:$0x2010] =	vst v1  }
0x15: {  	v15 =	vimm.s32 $0x0;
	[tilespmem:$0x2020] =	vst v2  }
0x16: {  	v16 =	vmov s3;
	[tilespmem:$0x2030] =	vst v15  }
0x17: {  	v17 =	vor.u32 s3, v7;
	[tilespmem:$0x2040] =	vst v15;
	v16 =	vshll.u32 v16, $0x3  }
0x18: {  	[tilespmem:$0x2050] =	vst v15;
	v18 =	vand.u32 $0x7F, v17;
	v16 =	vand.u32 $0x1C00, v16  }
0x19: {  	[tilespmem:$0x2060] =	vst v15;
	vm4 =	vlt.u32 v17, $0x3E8;
	v16 =	vor.u32 v18, v16  }
0x1a: {  	s18 =	simm.s32 $0x10;
	[tilespmem:$0x2070] =	vst v15;
	v16 =	vor.u32 v3, v16  }
0x1b: {  	v17 =	vmov s18;
	[tilespmem:s3], [sflag:$0x1] =	stream.linear.gather [hbm4b:s4+s3], $0x2000, $0x38;
	[tilespmem:$0xC580] =	vst v63  }
0x1c: {  	v17 =	vshll.u32 v17, $0x3;
	v18 =	vor.u32 s18, v7;
	_ =	swait.ge [sflag:s12], $0x2000  }
0x1d: {  	v17 =	vand.u32 $0x1C00, v17;
	v19 =	vand.u32 $0x7F, v18;
	[sflag:s12] =	ssyncset.done $0x0  }
0x1e: {  	vm3 =	vlt.u32 v18, $0x3E8;
	v17 =	vor.u32 v19, v17;
	[sflag:s12] =	ssyncadd.s32 $0xFFFFE000  }
0x1f: {  	s20 =	simm.s32 $0x2;
	vm5 =	vmmov vm4;
	v18 =	vor.u32 v3, v17;
	v16 =	vld.idx.msk [tilespmem:v16+s3+$0x0], vm4  }
0x20: {  	s22 =	simm.s32 $0x20;
	s21 =	simm.s32 $0x0;
	s18 =	simm.s32 $0x1;
	vm5 =	vmmov vm5;
	v17 =	vimm.f32 $-Inf;
	vm4 =	vmmov vm3  }
.LBB2_2:
0x21: {  	v19 =	vmov s22;
	p0 =	sne.s32 s20, $0x3F;
	s23 =	smov.u32 s20;
	s20 =	sadd.s32 $0x1, s20  }
.Ltmp0:
0x22: {  	v20 =	vor.u32 s22, v7;
	v19 =	vshll.u32 v19, $0x3;
	(pc) =	sbr.rel @p0 .LBB2_2-.Ltmp0, $4  }
0x23: {  	s19 =	simm.s32 $0x0;
	v21 =	vand.u32 $0x7F, v20;
	v19 =	vand.u32 $0x1C00, v19  }
0x24: {  	v19 =	vor.u32 v21, v19;
	v21 =	vnsel vm5, $0xFF800000, v16;
	v16 =	vld.idx.msk [tilespmem:v18+s19+$0x0], vm3;
	vm3 =	vlt.u32 v20, $0x3E8  }
0x25: {  	vm5 =	vmmov vm4;
	v18 =	vor.u32 v3, v19;
	vm6 =	vgt.f32 v21, v17  }
0x26: {  	s22 =	sadd.s32 $0x10, s22;
	vm4 =	vmmov vm3;
	v17 =	vsel vm6, v21, v17;
	v15 =	vsel vm6, s21, v15;
	s21 =	smov.u32 s18;
	s18 =	smov.u32 s23  }
0x27: {  	_ =	sdelay $0x4  }
0x28: {  	v18 =	vld.idx.msk [tilespmem:v18+s19+$0x0], vm3;
	_ =	sdelay $0x2  }
0x29: {  	p2 =	por $0x1, $0x1;
	v16 =	vnsel vm5, $0xFF800000, v16  }
.Ltmp1:
0x2a: {  	vm4 =	vmmov vm4;
	vm3 =	vgt.f32 v16, v17;
	(pc) =	sbr.rel @!p2 .LBB2_7-.Ltmp1, $4  }
0x2b: {  	v16 =	vsel vm3, v16, v17;
	v17 =	vnsel vm4, $0xFF800000, v18  }
0x2c: {  	v15 =	vsel vm3, s21, v15;
	vm3 =	vgt.f32 v17, v16  }
0x2d: {  	p0 =	por $0x0, $0x0;
	v16 =	vsel vm3, v17, v16;
	v15 =	vsel vm3, s18, v15  }
0x2e: {  	s20 =	simm.s32 $0x0;
	p1 =	por $0x0, $0x0;
	s18 =	simm.s32 $0x1;
	v19 =	vmov v16;
	v18 =	vmov v15  }
0x2f: {  	(xrf0) =	vmax.scan.msk.f32 $0xffff, v16;
	_ =	sdelay $0x5  }
0x30: {  	v17, _, _ =	vpop (xrf0)  }
0x31: {  	v17 =	vbroadcast v17, $0xF  }
0x32: {  	v18 =	vshll.u32 v15, $0x4  }
0x33: {  	vm3 =	veq.f32 v16, v17;
	v17 =	vxor.u32 v9, v18  }
0x34: {  	v17 =	vnsel vm3, $0xC0000000, v17  }
0x35: {  	(xrf0) =	vmin.scan.msk.u32 $0xffff, v17;
	_ =	sdelay $0x5  }
0x36: {  	v17, _, _ =	vpop (xrf0)  }
0x37: {  	(v2sf) =	vpush v17, $0xF;
	_ =	sdelay $0xe  }
0x38: {  	s20 =	spop (v2sf)  }
0x39: {  	s20 =	sxor.u32 $0x80000000, s20  }
0x3a: {  	p1 =	slt.s32 s20, $0x3E7  }
0x3b: {  	s20 =	simm.s32 @!p1 $0x3E7  }
0x3c: {  	s21 =	sshra.s32 s20, $0x1F  }
0x3d: {  	v18 =	vmov s20;
	s21 =	sshrl.u32 s21, $0x1C  }
0x3e: {  	s22 =	smax.u32 s19, $0x3;
	vm3 =	vmmov vm1;
	p1 =	por $0x0, $0x0;
	v17 =	vshll.u32 v18, $0x3;
	s21 =	sadd.s32 s21, s20  }
0x3f: {  	s22 =	sadd.s32 $0x3D, s22;
	vm3 =	vmneg @p1 vm3;
	v19 =	vand.u32 $0x7F, v18;
	v17 =	vand.u32 $0xFFFFFC00, v17;
	s21 =	sand.u32 $0xFFFFFFF0, s21  }
0x40: {  	v20 =	vmov s22;
	vm4 =	vmand vm3, vm2;
	v17 =	vor.u32 v17, v19;
	s20 =	ssub.s32 s20, s21  }
0x41: {  	v19 =	vor.u32 v3, v17;
	v17 =	vimm.f32 $-Inf;
	v21 =	vadd.s32 s20, v12  }
0x42: {  	s21 =	sadd.s32 $0x100, s20;
	s30 =	sadd.s32 $0x200, s20;
	vm3 =	vlt.s32 v21, $0x3E8;
	v22 =	vand.u32 $0x7F, v21;
	v21 =	vshll.u32 v21, $0x3  }
0x43: {  	s31 =	sadd.s32 $0x300, s20;
	v23 =	vadd.s32 s21, v12;
	v24 =	vadd.s32 s30, v12;
	v21 =	vand.u32 $0xFFFFFC00, v21  }
0x44: {  	v63 =	vadd.s32 s31, v12;
	v25 =	vshll.u32 v23, $0x3;
	v21 =	vor.u32 v21, v22  }
0x45: {  	v22 =	vand.u32 $0x7F, v23;
	v25 =	vand.u32 $0xFFFFFC00, v25;
	v21 =	vor.u32 v3, v21  }
0x46: {  	v26 =	vshll.u32 v24, $0x3;
	vm5 =	vlt.s32 v23, $0x3E8;
	v22 =	vor.u32 v25, v22  }
0x47: {  	v62 =	vand.u32 $0x7F, v24;
	v23 =	vand.u32 $0xFFFFFC00, v26;
	v22 =	vor.u32 v3, v22  }
0x48: {  	[tilespmem:v20+s11+$0x0] =	vst.idx.msk vm4, v18;
	vm4 =	vlt.s32 v24, $0x3E8;
	v20 =	vshll.u32 v63, $0x3;
	v18 =	vor.u32 v23, v62  }
0x49: {  	v20 =	vand.u32 $0xFFFFFC00, v20;
	[tilespmem:v19+s19+$0x0] =	vst.idx.msk $0x1, v17;
	v19 =	vand.u32 $0x7F, v63;
	v18 =	vor.u32 v3, v18  }
0x4a: {  	vm6 =	vlt.s32 v63, $0x3E8;
	v19 =	vor.u32 v20, v19;
	v21 =	vld.idx.msk [tilespmem:v21+s19+$0x0], vm3  }
0x4b: {  	v19 =	vor.u32 v3, v19  }
0x4c: {  	v20 =	vld.idx.msk [tilespmem:v22+s19+$0x0], vm5;
	_ =	sdelay $0x1  }
0x4d: {  	v18 =	vld.idx.msk [tilespmem:v18+s19+$0x0], vm4  }
0x4e: {  	v21 =	vnsel vm3, $0xFF800000, v21  }
0x4f: {  	v19 =	vld.idx.msk [tilespmem:v19+s19+$0x0], vm6;
	vm3 =	vgt.f32 v21, $-Inf  }
0x50: {  	v20 =	vnsel vm5, $0xFF800000, v20;
	v21 =	vnsel vm3, $0xFF800000, v21  }
0x51: {  	vm3 =	vgt.f32 v20, v21  }
0x52: {  	v18 =	vnsel vm4, $0xFF800000, v18;
	v20 =	vsel vm3, v20, v21  }
0x53: {  	vm4 =	vgt.f32 v18, v20  }
0x54: {  	v19 =	vnsel vm6, $0xFF800000, v19;
	v18 =	vsel vm4, v18, v20  }
0x55: {  	vm5 =	vgt.f32 v19, v18  }
0x56: {  	v20 =	vsel vm5, v19, v18  }
0x57: {  	(xrf0) =	vmax.scan.msk.f32 $0xffff, v20;
	_ =	sdelay $0x2  }
0x58: {  	p2 =	por $0x1, $0x1  }
.Ltmp2:
0x59: {  	v18 =	vsel vm3, v10, v9;
	(pc) =	sbr.rel @!p2 .LBB2_5-.Ltmp2, $4  }
0x5a: {  	v19 =	vmov s20;
	v18 =	vsel vm4, v11, v18  }
0x5b: {  	v22, _, _ =	vpop (xrf0)  }
0x5c: {  	v22 =	vbroadcast v22, $0xF  }
0x5d: {  	p1 =	por $0x1, $0x1;
	s21 =	simm.s32 $0x2;
	s20 =	simm.s32 $0x1;
	vm3 =	veq.s32 v19, v7;
	v21 =	vsel vm5, v13, v18;
	v19 =	vmovc v16;
	v18 =	vmov v15  }
.LBB2_6:
0x5e: {  	p2 =	sne.s32 s21, $0x18;
	vm4 =	veq.f32 v20, v22;
	v19 =	vsel vm3, v22, v19;
	s22 =	smov.u32 s21;
	s21 =	sadd.s32 $0x1, s21  }
0x5f: {  	(xrf0) =	vmax.scan.msk.f32 $0xffff, v19;
	v20 =	vnsel vm4, $0xC0000000, v21  }
0x60: {  	(xrf0) =	vmin.scan.msk.u32 $0xffff, v20;
	_ =	sdelay $0x4  }
0x61: {  	v20, _, _ =	vpop (xrf0)  }
0x62: {  	v20 =	vbroadcast v20, $0xF;
	v21, _, _ =	vpop (xrf0)  }
0x63: {  	v21 =	vbroadcast v21, $0xF;
	_ =	sdelay $0x1  }
0x64: {  	v18 =	vsel vm3, v21, v18  }
0x65: {  	v21 =	vshll.u32 v18, $0x4  }
0x66: {  	vm3 =	veq.f32 v19, v20;
	v20 =	vxor.u32 v9, v21  }
0x67: {  	v20 =	vnsel vm3, $0xC0000000, v20  }
0x68: {  	(xrf0) =	vmin.scan.msk.u32 $0xffff, v20;
	_ =	sdelay $0x5  }
0x69: {  	v20, _, _ =	vpop (xrf0)  }
0x6a: {  	(v2sf) =	vpush v20, $0xF;
	_ =	sdelay $0xb  }
0x6b: {  	p3 =	sgt.u32 s20, $0x2;
	vm3 =	vmmov vm1  }
0x6c: {  	s23 =	smax.u32 s20, $0x3;
	s20 =	smov.u32 s22;
	vm3 =	vmneg @p3 vm3  }
0x6d: {  	s22 =	sadd.s32 $0x3D, s23;
	vm3 =	vmand vm3, vm2  }
0x6e: {  	v20 =	vmov s22;
	s22 =	spop (v2sf)  }
0x6f: {  	s22 =	sxor.u32 $0x80000000, s22  }
0x70: {  	p3 =	slt.s32 s22, $0x3E7  }
0x71: {  	s22 =	simm.s32 @!p3 $0x3E7  }
0x72: {  	v21 =	vmov s22;
	s23 =	sshra.s32 s22, $0x1F  }
0x73: {  	[tilespmem:v20+s11+$0x0] =	vst.idx.msk vm3, v21;
	v20 =	vshll.u32 v21, $0x3;
	s23 =	sshrl.u32 s23, $0x1C  }
0x74: {  	v21 =	vand.u32 $0x7F, v21;
	v20 =	vand.u32 $0xFFFFFC00, v20;
	s23 =	sadd.s32 s23, s22  }
0x75: {  	v20 =	vor.u32 v20, v21;
	s23 =	sand.u32 $0xFFFFFFF0, s23  }
0x76: {  	v20 =	vor.u32 v3, v20;
	s22 =	ssub.s32 s22, s23  }
0x77: {  	v23 =	vmov s22;
	v21 =	vadd.s32 s22, v12;
	s23 =	sadd.s32 $0x100, s22;
	s24 =	sadd.s32 $0x200, s22;
	s22 =	sadd.s32 $0x300, s22  }
0x78: {  	vm3 =	vlt.s32 v21, $0x3E8;
	v22 =	vand.u32 $0x7F, v21;
	v21 =	vshll.u32 v21, $0x3  }
0x79: {  	v24 =	vadd.s32 s23, v12;
	v25 =	vadd.s32 s24, v12;
	v21 =	vand.u32 $0xFFFFFC00, v21  }
0x7a: {  	v26 =	vshll.u32 v24, $0x3;
	v21 =	vor.u32 v21, v22;
	v22 =	vand.u32 $0x7F, v24  }
0x7b: {  	v27 =	vshll.u32 v25, $0x3;
	v26 =	vand.u32 $0xFFFFFC00, v26;
	v21 =	vor.u32 v3, v21  }
0x7c: {  	vm4 =	vlt.s32 v24, $0x3E8;
	v24 =	vand.u32 $0xFFFFFC00, v27;
	v22 =	vor.u32 v26, v22  }
0x7d: {  	v27 =	vadd.s32 s22, v12;
	v26 =	vand.u32 $0x7F, v25;
	v22 =	vor.u32 v3, v22  }
0x7e: {  	vm5 =	vlt.s32 v25, $0x3E8;
	v25 =	vshll.u32 v27, $0x3;
	v24 =	vor.u32 v24, v26  }
0x7f: {  	v25 =	vand.u32 $0xFFFFFC00, v25;
	[tilespmem:v20+s19+$0x0] =	vst.idx.msk $0x1, v17;
	v20 =	vor.u32 v3, v24;
	v24 =	vand.u32 $0x7F, v27  }
0x80: {  	vm6 =	vlt.s32 v27, $0x3E8;
	v21 =	vld.idx.msk [tilespmem:v21+s19+$0x0], vm3;
	v24 =	vor.u32 v25, v24  }
0x81: {  	v24 =	vor.u32 v3, v24  }
0x82: {  	v22 =	vld.idx.msk [tilespmem:v22+s19+$0x0], vm4;
	_ =	sdelay $0x1  }
0x83: {  	v20 =	vld.idx.msk [tilespmem:v20+s19+$0x0], vm5;
	_ =	sdelay $0x1  }
0x84: {  	v21 =	vnsel vm3, $0xFF800000, v21;
	v24 =	vld.idx.msk [tilespmem:v24+s19+$0x0], vm6  }
0x85: {  	vm3 =	vgt.f32 v21, $-Inf  }
0x86: {  	v21 =	vnsel vm3, $0xFF800000, v21;
	v22 =	vnsel vm4, $0xFF800000, v22  }
0x87: {  	vm3 =	vgt.f32 v22, v21  }
0x88: {  	v21 =	vsel vm3, v22, v21;
	v20 =	vnsel vm5, $0xFF800000, v20  }
0x89: {  	vm4 =	vgt.f32 v20, v21  }
0x8a: {  	v22 =	vsel vm3, v10, v9;
	v20 =	vsel vm4, v20, v21;
	v21 =	vnsel vm6, $0xFF800000, v24  }
0x8b: {  	v22 =	vsel vm4, v11, v22;
	vm3 =	vgt.f32 v21, v20  }
0x8c: {  	v20 =	vsel vm3, v21, v20;
	v21 =	vsel vm3, v13, v22  }
0x8d: {  	(xrf0) =	vmax.scan.msk.f32 $0xffff, v20;
	_ =	sdelay $0x3  }
.Ltmp3:
0x8e: {  	(pc) =	sbr.rel @p2 .LBB2_6-.Ltmp3, $4  }
0x8f: {  	_ = 	snop  }
0x90: {  	v22, _, _ =	vpop (xrf0)  }
0x91: {  	v22 =	vbroadcast v22, $0xF  }
0x92: {  	vm3 =	veq.s32 v23, v7  }
.LBB2_7:
0x93: {  	v17 =	vsel @p1 vm3, v22, v19  }
0x94: {  	vm4 =	veq.f32 @p1 v20, v22;
	v16 =	vpsel p1, v17, v16  }
0x95: {  	v17 =	vnsel @p1 vm4, $0xC0000000, v21;
	(xrf0) =	vmax.scan.msk.f32 $0xffff, v16  }
0x96: {  	(xrf0) =	vmin.scan.msk.u32 @p1 $0xffff, v17;
	_ =	sdelay $0x4  }
0x97: {  	v17, _, _ =	vpop (xrf0)  }
0x98: {  	v19, _, _ =	vpop @p1 (xrf0)  }
0x99: {  	v19 =	vbroadcast @p1 v19, $0xF;
	_ =	sdelay $0x1  }
0x9a: {  	v18 =	vsel @p1 vm3, v19, v18  }
0x9b: {  	v17 =	vbroadcast v17, $0xF;
	v15 =	vpsel p1, v18, v15  }
0x9c: {  	v15 =	vshll.u32 v15, $0x4  }
0x9d: {  	vm3 =	veq.f32 v16, v17;
	v15 =	vxor.u32 v9, v15  }
0x9e: {  	v15 =	vnsel vm3, $0xC0000000, v15  }
0x9f: {  	(xrf0) =	vmin.scan.msk.u32 $0xffff, v15;
	_ =	sdelay $0x5  }
0xa0: {  	v15, _, _ =	vpop (xrf0)  }
0xa1: {  	(v2sf) =	vpush v15, $0xF;
	_ =	sdelay $0xe  }
0xa2: {  	s21 =	spop (v2sf)  }
0xa3: {  	s21 =	sxor.u32 $0x80000000, s21  }
0xa4: {  	p1 =	slt.s32 s21, $0x3E7  }
0xa5: {  	s21 =	simm.s32 @!p1 $0x3E7  }
0xa6: {  	s22 =	sshra.s32 s21, $0x1F  }
0xa7: {  	v16 =	vmov s21;
	s22 =	sshrl.u32 s22, $0x1C  }
0xa8: {  	s30 =	smax.u32 s20, $0x3;
	vm3 =	vmmov vm1;
	p1 =	sgt.u32 s20, $0x2;
	v15 =	vshll.u32 v16, $0x3;
	s22 =	sadd.s32 s22, s21  }
0xa9: {  	s20 =	sadd.s32 $0x3D, s30;
	vm3 =	vmneg @p1 vm3;
	v17 =	vand.u32 $0x7F, v16;
	v15 =	vand.u32 $0xFFFFFC00, v15;
	s22 =	sand.u32 $0xFFFFFFF0, s22  }
0xaa: {  	v18 =	vmov s20;
	vm4 =	vmand vm3, vm2;
	v15 =	vor.u32 v15, v17;
	s31 =	ssub.s32 s21, s22  }
0xab: {  	v17 =	vor.u32 v3, v15;
	v15 =	vimm.f32 $-Inf;
	v19 =	vadd.s32 s31, v12  }
0xac: {  	s21 =	sadd.s32 $0x100, s31;
	s22 =	sadd.s32 $0x200, s31;
	vm3 =	vlt.s32 v19, $0x3E8;
	v57 =	vand.u32 $0x7F, v19;
	v19 =	vshll.u32 v19, $0x3  }
0xad: {  	s20 =	sadd.s32 $0x300, s31;
	v58 =	vadd.s32 s21, v12;
	v59 =	vadd.s32 s22, v12;
	v19 =	vand.u32 $0xFFFFFC00, v19  }
0xae: {  	v63 =	vadd.s32 s20, v12;
	v23 =	vshll.u32 v58, $0x3;
	v19 =	vor.u32 v19, v57  }
0xaf: {  	v60 =	vand.u32 $0x7F, v58;
	v23 =	vand.u32 $0xFFFFFC00, v23;
	v19 =	vor.u32 v3, v19  }
0xb0: {  	v24 =	vshll.u32 v59, $0x3;
	vm5 =	vlt.s32 v58, $0x3E8;
	v20 =	vor.u32 v23, v60  }
0xb1: {  	v62 =	vand.u32 $0x7F, v59;
	v61 =	vand.u32 $0xFFFFFC00, v24;
	v20 =	vor.u32 v3, v20  }
0xb2: {  	[tilespmem:v18+s11+$0x0] =	vst.idx.msk vm4, v16;
	vm4 =	vlt.s32 v59, $0x3E8;
	v18 =	vshll.u32 v63, $0x3;
	v16 =	vor.u32 v61, v62  }
0xb3: {  	v18 =	vand.u32 $0xFFFFFC00, v18;
	[tilespmem:v17+s19+$0x0] =	vst.idx.msk $0x1, v15;
	v17 =	vand.u32 $0x7F, v63;
	v16 =	vor.u32 v3, v16  }
0xb4: {  	vm6 =	vlt.s32 v63, $0x3E8;
	v17 =	vor.u32 v18, v17;
	v19 =	vld.idx.msk [tilespmem:v19+s19+$0x0], vm3  }
0xb5: {  	v17 =	vor.u32 v3, v17  }
0xb6: {  	v18 =	vld.idx.msk [tilespmem:v20+s19+$0x0], vm5;
	_ =	sdelay $0x1  }
0xb7: {  	v16 =	vld.idx.msk [tilespmem:v16+s19+$0x0], vm4  }
0xb8: {  	v19 =	vnsel vm3, $0xFF800000, v19  }
0xb9: {  	v17 =	vld.idx.msk [tilespmem:v17+s19+$0x0], vm6;
	vm3 =	vgt.f32 v19, $-Inf  }
0xba: {  	v18 =	vnsel vm5, $0xFF800000, v18;
	v19 =	vnsel vm3, $0xFF800000, v19  }
0xbb: {  	vm3 =	vgt.f32 v18, v19  }
0xbc: {  	v16 =	vnsel vm4, $0xFF800000, v16;
	v18 =	vsel vm3, v18, v19  }
0xbd: {  	vm4 =	vgt.f32 v16, v18  }
0xbe: {  	v17 =	vnsel vm6, $0xFF800000, v17;
	v16 =	vsel vm4, v16, v18  }
0xbf: {  	vm5 =	vgt.f32 v17, v16  }
0xc0: {  	v16 =	vsel vm5, v17, v16  }
0xc1: {  	(xrf0) =	vmax.scan.msk.f32 $0xffff, v16;
	_ =	sdelay $0x5  }
0xc2: {  	v17, _, _ =	vpop (xrf0)  }
0xc3: {  	v18 =	vsel vm3, v10, v9;
	v17 =	vbroadcast v17, $0xF  }
0xc4: {  	v18 =	vsel vm4, v11, v18  }
0xc5: {  	v18 =	vsel vm5, v13, v18;
	vm3 =	veq.f32 v16, v17  }
0xc6: {  	v16 =	vnsel vm3, $0xC0000000, v18  }
0xc7: {  	(xrf0) =	vmin.scan.msk.u32 $0xffff, v16  }
0xc8: {  	v16 =	vmov s19  }
0xc9: {  	p1 =	por $0x1, $0x1;
	v16 =	vshll.u32 v16, $0x3  }
.Ltmp4:
0xca: {  	v16 =	vand.u32 $0x1C00, v16;
	(pc) =	sbr.rel @!p1 .LBB2_8-.Ltmp4, $4  }
0xcb: {  	v17 =	vor.u32 s19, v7  }
0xcc: {  	v18 =	vand.u32 $0x7F, v17  }
0xcd: {  	vm5 =	vlt.u32 v17, $0x3E8;
	v17 =	vor.u32 v18, v16;
	v16, _, _ =	vpop (xrf0)  }
0xce: {  	s20 =	simm.s32 $0x10;
	vm3 =	vmmov vm5;
	v17 =	vor.u32 v8, v17;
	v16 =	vimm.s32 $0x0  }
0xcf: {  	_ =	sdelay $0x1  }
0xd0: {  	v18 =	vmov s20;
	p1 =	por $0x1, $0x1  }
.Ltmp5:
0xd1: {  	v19 =	vor.u32 s20, v7;
	v18 =	vshll.u32 v18, $0x3;
	(pc) =	sbr.rel @!p1 .LBB2_10-.Ltmp5, $4  }
0xd2: {  	s20 =	simm.s32 $0x0;
	v20 =	vand.u32 $0x7F, v19;
	v18 =	vand.u32 $0x1C00, v18  }
0xd3: {  	v20 =	vor.u32 v20, v18;
	v18 =	vld.idx.msk [tilespmem:v17+s20+$0x0], vm5;
	vm5 =	vlt.u32 v19, $0x3E8  }
0xd4: {  	vm4 =	vmmov vm3;
	v17 =	vor.u32 v8, v20  }
0xd5: {  	s21 =	simm.s32 $0x2;
	s22 =	simm.s32 $0x20;
	p0 =	por $0x1, $0x1;
	v19 =	vimm.f32 $-Inf;
	vm3 =	vmmov vm5;
	v20 =	vimm.s32 $0x0  }
.LBB2_11:
0xd6: {  	v21 =	vmov s22;
	p1 =	sne.s32 s21, $0x3F;
	s23 =	smov.u32 s21;
	s21 =	sadd.s32 $0x1, s21  }
.Ltmp6:
0xd7: {  	v22 =	vor.u32 s22, v7;
	v21 =	vshll.u32 v21, $0x3;
	(pc) =	sbr.rel @p1 .LBB2_11-.Ltmp6, $4  }
0xd8: {  	v23 =	vand.u32 $0x7F, v22;
	v21 =	vand.u32 $0x1C00, v21  }
0xd9: {  	v21 =	vor.u32 v23, v21;
	v23 =	vnsel vm4, $0xFF800000, v18;
	v18 =	vld.idx.msk [tilespmem:v17+s20+$0x0], vm5;
	vm5 =	vlt.u32 v22, $0x3E8  }
0xda: {  	vm4 =	vmmov vm3;
	v17 =	vor.u32 v8, v21;
	vm6 =	vgt.f32 v23, v19  }
0xdb: {  	s22 =	sadd.s32 $0x10, s22;
	vm3 =	vmmov vm5;
	v19 =	vsel vm6, v23, v19;
	v20 =	vsel vm6, s19, v20;
	s19 =	smov.u32 s18;
	s18 =	smov.u32 s23  }
0xdc: {  	s20 =	smov.u32 s19;
	s19 =	smov.u32 s18  }
.LBB2_13:
0xdd: {  	_ =	sdelay $0x3  }
0xde: {  	s18 =	simm.s32 $0x0  }
0xdf: {  	v17 =	vld.idx.msk [tilespmem:v17+s18+$0x0], vm5;
	_ =	sdelay $0x1  }
0xe0: {  	v18 =	vnsel @p0 vm4, $0xFF800000, v18  }
0xe1: {  	p1 =	por $0x1, $0x1;
	vm4 =	vgt.f32 @p0 v18, v19  }
.Ltmp7:
0xe2: {  	vm3 =	vmmov vm3;
	v18 =	vsel @p0 vm4, v18, v19;
	v19 =	vsel @p0 vm4, s20, v20;
	(pc) =	sbr.rel @!p1 .LBB2_18-.Ltmp7, $4  }
0xe3: {  	v15 =	vpsel p0, v18, v15;
	v18 =	vpsel p0, v19, v16;
	v17 =	vnsel vm3, $0xFF800000, v17  }
0xe4: {  	vm3 =	vgt.f32 v17, v15  }
0xe5: {  	v16 =	vsel vm3, v17, v15;
	v15 =	vsel vm3, s19, v18  }
0xe6: {  	s20 =	simm.s32 $0x0;
	p0 =	por $0x0, $0x0;
	s19 =	simm.s32 $0x1;
	v18 =	vmov v16;
	v17 =	vmov v15  }
0xe7: {  	(xrf0) =	vmax.scan.msk.f32 $0xffff, v16;
	_ =	sdelay $0x5  }
0xe8: {  	v17, _, _ =	vpop (xrf0)  }
0xe9: {  	v17 =	vbroadcast v17, $0xF  }
0xea: {  	v18 =	vshll.u32 v15, $0x4  }
0xeb: {  	vm3 =	veq.f32 v16, v17;
	v17 =	vxor.u32 v9, v18  }
0xec: {  	v17 =	vnsel vm3, $0xC0000000, v17  }
0xed: {  	(xrf0) =	vmin.scan.msk.u32 $0xffff, v17;
	_ =	sdelay $0x5  }
0xee: {  	v17, _, _ =	vpop (xrf0)  }
0xef: {  	(v2sf) =	vpush v17, $0xF;
	_ =	sdelay $0xe  }
0xf0: {  	s20 =	spop (v2sf)  }
0xf1: {  	s20 =	sxor.u32 $0x80000000, s20  }
0xf2: {  	p0 =	slt.s32 s20, $0x3E7  }
0xf3: {  	s20 =	simm.s32 @!p0 $0x3E7  }
0xf4: {  	s21 =	sshra.s32 s20, $0x1F  }
0xf5: {  	s22 =	smax.u32 s18, $0x3;
	v17 =	vmov s20;
	s21 =	sshrl.u32 s21, $0x1C  }
0xf6: {  	s22 =	sadd.s32 $0x53, s22;
	v18 =	vshll.u32 v17, $0x3;
	s21 =	sadd.s32 s21, s20  }
0xf7: {  	v20 =	vmov s22;
	v18 =	vand.u32 $0xFFFFFC00, v18;
	s21 =	sand.u32 $0xFFFFFFF0, s21  }
0xf8: {  	vm3 =	vmmov vm1;
	p0 =	por $0x0, $0x0;
	v19 =	vand.u32 $0x7F, v17;
	v18 =	vadd.s32 v5, v18;
	s21 =	ssub.s32 s20, s21  }
0xf9: {  	vm3 =	vmneg @p0 vm3;
	v18 =	vor.u32 v19, v18;
	v19 =	vadd.s32 s21, v12  }
0xfa: {  	vm3 =	vmand vm3, vm2;
	v18 =	vor.u32 v4, v18;
	s20 =	sadd.s32 $0x100, s21;
	s30 =	sadd.s32 $0x200, s21;
	v21 =	vshll.u32 v19, $0x3  }
0xfb: {  	v22 =	vand.u32 $0x7F, v19;
	v23 =	vadd.s32 s20, v12;
	v24 =	vadd.s32 s30, v12  }
0xfc: {  	vm4 =	vlt.s32 v19, $0x3E8;
	v21 =	vand.u32 $0xFFFFFC00, v21;
	v25 =	vshll.u32 v23, $0x3  }
0xfd: {  	v26 =	vand.u32 $0x7F, v24;
	v62 =	vshll.u32 v24, $0x3;
	v21 =	vadd.s32 v5, v21  }
0xfe: {  	vm5 =	vlt.s32 v23, $0x3E8;
	v25 =	vand.u32 $0xFFFFFC00, v25;
	v21 =	vor.u32 v22, v21  }
0xff: {  	s31 =	sadd.s32 $0x300, s21;
	v19 =	vadd.s32 v5, v25;
	v22 =	vand.u32 $0x7F, v23;
	v21 =	vor.u32 v4, v21  }
0x100: {  	v23 =	vadd.s32 s31, v12;
	v19 =	vor.u32 v22, v19;
	v22 =	vand.u32 $0xFFFFFC00, v62  }
0x101: {  	v63 =	vshll.u32 v23, $0x3;
	v19 =	vor.u32 v4, v19;
	v22 =	vadd.s32 v5, v22  }
0x102: {  	[tilespmem:v20+s11+$0x0] =	vst.idx.msk vm3, v17;
	vm3 =	vlt.s32 v24, $0x3E8;
	v17 =	vand.u32 $0xFFFFFC00, v63;
	v20 =	vor.u32 v26, v22  }
0x103: {  	[tilespmem:v18+s3+$0x0] =	vst.idx.msk $0x1, v14;
	v22 =	vand.u32 $0x7F, v23;
	v17 =	vadd.s32 v5, v17;
	v18 =	vor.u32 v4, v20  }
0x104: {  	vm6 =	vlt.s32 v23, $0x3E8;
	v17 =	vor.u32 v22, v17;
	v20 =	vld.idx.msk [tilespmem:v21+s3+$0x0], vm4  }
0x105: {  	v17 =	vor.u32 v4, v17  }
0x106: {  	v19 =	vld.idx.msk [tilespmem:v19+s3+$0x0], vm5;
	_ =	sdelay $0x1  }
0x107: {  	v18 =	vld.idx.msk [tilespmem:v18+s3+$0x0], vm3  }
0x108: {  	v20 =	vnsel vm4, $0xFF800000, v20  }
0x109: {  	v17 =	vld.idx.msk [tilespmem:v17+s3+$0x0], vm6;
	vm4 =	vgt.f32 v20, $-Inf  }
0x10a: {  	v19 =	vnsel vm5, $0xFF800000, v19;
	v20 =	vnsel vm4, $0xFF800000, v20  }
0x10b: {  	vm4 =	vgt.f32 v19, v20  }
0x10c: {  	v18 =	vnsel vm3, $0xFF800000, v18;
	v19 =	vsel vm4, v19, v20  }
0x10d: {  	vm3 =	vgt.f32 v18, v19  }
0x10e: {  	v17 =	vnsel vm6, $0xFF800000, v17;
	v18 =	vsel vm3, v18, v19  }
0x10f: {  	vm15 =	vgt.f32 v17, v18  }
0x110: {  	v20 =	vsel vm15, v17, v18  }
0x111: {  	(xrf0) =	vmax.scan.msk.f32 $0xffff, v20;
	_ =	sdelay $0x1  }
0x112: {  	p1 =	por $0x1, $0x1  }
.Ltmp8:
0x113: {  	v17 =	vsel vm4, v10, v9;
	(pc) =	sbr.rel @!p1 .LBB2_15-.Ltmp8, $3  }
0x114: {  	v17 =	vsel vm3, v11, v17;
	_ =	sdelay $0x1  }
0x115: {  	v18, _, _ =	vpop (xrf0)  }
0x116: {  	p0 =	por $0x1, $0x1;
	s20 =	simm.s32 $0x2;
	v19 =	vmov s21;
	v21 =	vsel vm15, v13, v17;
	v17 =	vmovc v15;
	v22 =	vbroadcast v18, $0xF;
	v18 =	vmovc v16  }
.LBB2_16:
0x117: {  	_ = 	snop  }
0x118: {  	p1 =	sne.s32 s20, $0x18;
	s21 =	smov.u32 s20;
	s20 =	sadd.s32 $0x1, s20;
	vm3 =	veq.f32 v20, v22  }
0x119: {  	v20 =	vnsel vm3, $0xC0000000, v21;
	vm3 =	veq.s32 v19, v7  }
0x11a: {  	v18 =	vsel vm3, v22, v18;
	(xrf0) =	vmin.scan.msk.u32 $0xffff, v20  }
0x11b: {  	(xrf0) =	vmax.scan.msk.f32 $0xffff, v18;
	_ =	sdelay $0x4  }
0x11c: {  	v19, _, _ =	vpop (xrf0)  }
0x11d: {  	v20, _, _ =	vpop (xrf0);
	v19 =	vbroadcast v19, $0xF  }
0x11e: {  	v20 =	vbroadcast v20, $0xF  }
0x11f: {  	v17 =	vsel vm3, v19, v17  }
0x120: {  	vm3 =	veq.f32 v18, v20;
	v19 =	vshll.u32 v17, $0x4  }
0x121: {  	v19 =	vxor.u32 v9, v19  }
0x122: {  	v19 =	vnsel vm3, $0xC0000000, v19  }
0x123: {  	(xrf0) =	vmin.scan.msk.u32 $0xffff, v19;
	_ =	sdelay $0x5  }
0x124: {  	v19, _, _ =	vpop (xrf0)  }
0x125: {  	(v2sf) =	vpush v19, $0xF;
	_ =	sdelay $0xe  }
0x126: {  	p2 =	sgt.u32 s19, $0x2;
	vm3 =	vmmov vm1;
	s22 =	spop (v2sf)  }
0x127: {  	s23 =	smax.u32 s19, $0x3;
	s19 =	smov.u32 s21;
	vm3 =	vmneg @p2 vm3;
	s22 =	sxor.u32 $0x80000000, s22  }
0x128: {  	s21 =	sadd.s32 $0x53, s23;
	p2 =	slt.s32 s22, $0x3E7  }
0x129: {  	vm3 =	vmand vm3, vm2;
	v19 =	vmov s21;
	s22 =	simm.s32 @!p2 $0x3E7  }
0x12a: {  	v20 =	vmov s22;
	s21 =	sshra.s32 s22, $0x1F  }
0x12b: {  	v21 =	vshll.u32 v20, $0x3;
	s21 =	sshrl.u32 s21, $0x1C  }
0x12c: {  	v21 =	vand.u32 $0xFFFFFC00, v21;
	s21 =	sadd.s32 s21, s22  }
0x12d: {  	v22 =	vand.u32 $0x7F, v20;
	v21 =	vadd.s32 v5, v21;
	s21 =	sand.u32 $0xFFFFFFF0, s21  }
0x12e: {  	v21 =	vor.u32 v22, v21;
	s21 =	ssub.s32 s22, s21  }
0x12f: {  	[tilespmem:v19+s11+$0x0] =	vst.idx.msk vm3, v20;
	v20 =	vor.u32 v4, v21;
	v19 =	vmov s21;
	v21 =	vadd.s32 s21, v12;
	s22 =	sadd.s32 $0x100, s21;
	s23 =	sadd.s32 $0x200, s21;
	s21 =	sadd.s32 $0x300, s21  }
0x130: {  	v22 =	vand.u32 $0x7F, v21;
	v23 =	vadd.s32 s22, v12;
	v24 =	vadd.s32 s23, v12  }
0x131: {  	v25 =	vshll.u32 v21, $0x3;
	v26 =	vshll.u32 v23, $0x3;
	v27 =	vand.u32 $0x7F, v24  }
0x132: {  	v25 =	vand.u32 $0xFFFFFC00, v25;
	vm3 =	vlt.s32 v24, $0x3E8;
	v26 =	vand.u32 $0xFFFFFC00, v26  }
0x133: {  	vm4 =	vlt.s32 v21, $0x3E8;
	v21 =	vadd.s32 v5, v25;
	v25 =	vadd.s32 s21, v12  }
0x134: {  	v21 =	vor.u32 v22, v21;
	v22 =	vadd.s32 v5, v26;
	v26 =	vshll.u32 v25, $0x3  }
0x135: {  	v28 =	vand.u32 $0x7F, v23;
	v24 =	vshll.u32 v24, $0x3;
	v21 =	vor.u32 v4, v21  }
0x136: {  	vm5 =	vlt.s32 v23, $0x3E8;
	v23 =	vand.u32 $0xFFFFFC00, v24;
	v22 =	vor.u32 v28, v22  }
0x137: {  	v23 =	vadd.s32 v5, v23;
	v24 =	vand.u32 $0xFFFFFC00, v26;
	v22 =	vor.u32 v4, v22  }
0x138: {  	v23 =	vor.u32 v27, v23;
	v26 =	vand.u32 $0x7F, v25;
	v24 =	vadd.s32 v5, v24  }
0x139: {  	vm6 =	vlt.s32 v25, $0x3E8;
	[tilespmem:v20+s3+$0x0] =	vst.idx.msk $0x1, v14;
	v20 =	vor.u32 v4, v23;
	v23 =	vor.u32 v26, v24  }
0x13a: {  	v21 =	vld.idx.msk [tilespmem:v21+s3+$0x0], vm4;
	v23 =	vor.u32 v4, v23;
	_ =	sdelay $0x1  }
0x13b: {  	v22 =	vld.idx.msk [tilespmem:v22+s3+$0x0], vm5;
	_ =	sdelay $0x1  }
0x13c: {  	v20 =	vld.idx.msk [tilespmem:v20+s3+$0x0], vm3  }
0x13d: {  	v23 =	vld.idx.msk [tilespmem:v23+s3+$0x0], vm6  }
0x13e: {  	v21 =	vnsel vm4, $0xFF800000, v21  }
0x13f: {  	vm4 =	vgt.f32 v21, $-Inf  }
0x140: {  	v21 =	vnsel vm4, $0xFF800000, v21;
	v22 =	vnsel vm5, $0xFF800000, v22  }
0x141: {  	vm4 =	vgt.f32 v22, v21  }
0x142: {  	v21 =	vsel vm4, v22, v21;
	v20 =	vnsel vm3, $0xFF800000, v20  }
0x143: {  	vm3 =	vgt.f32 v20, v21  }
0x144: {  	v22 =	vsel vm4, v10, v9;
	v20 =	vsel vm3, v20, v21;
	v21 =	vnsel vm6, $0xFF800000, v23  }
0x145: {  	v22 =	vsel vm3, v11, v22;
	vm4 =	vgt.f32 v21, v20  }
0x146: {  	v20 =	vsel vm4, v21, v20;
	v21 =	vsel vm4, v13, v22  }
0x147: {  	(xrf0) =	vmax.scan.msk.f32 $0xffff, v20;
	_ =	sdelay $0x2  }
.Ltmp9:
0x148: {  	(pc) =	sbr.rel @p1 .LBB2_16-.Ltmp9, $3  }
0x149: {  	_ =	sdelay $0x1  }
0x14a: {  	v22, _, _ =	vpop (xrf0)  }
0x14b: {  	v22 =	vbroadcast v22, $0xF  }
0x14c: {  	s20 =	smov.u32 s19  }
.LBB2_18:
0x14d: {  	vm3 =	veq.f32 @p0 v20, v22  }
0x14e: {  	v20 =	vnsel @p0 vm3, $0xC0000000, v21  }
0x14f: {  	vm3 =	veq.s32 @p0 v19, v7;
	(xrf0) =	vmin.scan.msk.u32 @p0 $0xffff, v20  }
0x150: {  	v18 =	vsel @p0 vm3, v22, v18  }
0x151: {  	v16 =	vpsel p0, v18, v16  }
0x152: {  	(xrf0) =	vmax.scan.msk.f32 $0xffff, v16;
	_ =	sdelay $0x2  }
0x153: {  	v18, _, _ =	vpop @p0 (xrf0)  }
0x154: {  	v18 =	vbroadcast @p0 v18, $0xF;
	_ =	sdelay $0x1  }
0x155: {  	v19, _, _ =	vpop (xrf0);
	v17 =	vsel @p0 vm3, v18, v17  }
0x156: {  	v18 =	vbroadcast v19, $0xF;
	v15 =	vpsel p0, v17, v15  }
0x157: {  	v15 =	vshll.u32 v15, $0x4  }
0x158: {  	vm3 =	veq.f32 v16, v18;
	v15 =	vxor.u32 v9, v15  }
0x159: {  	v15 =	vnsel vm3, $0xC0000000, v15  }
0x15a: {  	(xrf0) =	vmin.scan.msk.u32 $0xffff, v15;
	_ =	sdelay $0x5  }
0x15b: {  	v15, _, _ =	vpop (xrf0)  }
0x15c: {  	(v2sf) =	vpush v15, $0xF;
	_ =	sdelay $0xe  }
0x15d: {  	s19 =	spop (v2sf)  }
0x15e: {  	s19 =	sxor.u32 $0x80000000, s19  }
0x15f: {  	p0 =	slt.s32 s19, $0x3E7  }
0x160: {  	s19 =	simm.s32 @!p0 $0x3E7  }
0x161: {  	s21 =	sshra.s32 s19, $0x1F  }
0x162: {  	v15 =	vmov s19;
	s21 =	sshrl.u32 s21, $0x1C  }
0x163: {  	v16 =	vshll.u32 v15, $0x3;
	s21 =	sadd.s32 s21, s19  }
0x164: {  	s29 =	smax.u32 s20, $0x3;
	vm3 =	vmmov vm1;
	p0 =	sgt.u32 s20, $0x2;
	v16 =	vand.u32 $0xFFFFFC00, v16;
	s21 =	sand.u32 $0xFFFFFFF0, s21  }
0x165: {  	s20 =	sadd.s32 $0x53, s29;
	vm3 =	vmneg @p0 vm3;
	v17 =	vand.u32 $0x7F, v15;
	v16 =	vadd.s32 v5, v16;
	s19 =	ssub.s32 s19, s21  }
0x166: {  	v18 =	vmov s20;
	v16 =	vor.u32 v17, v16;
	v17 =	vadd.s32 s19, v12  }
0x167: {  	vm3 =	vmand vm3, vm2;
	v16 =	vor.u32 v4, v16;
	s30 =	sadd.s32 $0x100, s19;
	s21 =	sadd.s32 $0x200, s19;
	v19 =	vshll.u32 v17, $0x3  }
0x168: {  	v20 =	vand.u32 $0x7F, v17;
	v21 =	vadd.s32 s30, v12;
	v22 =	vadd.s32 s21, v12  }
0x169: {  	vm4 =	vlt.s32 v17, $0x3E8;
	v19 =	vand.u32 $0xFFFFFC00, v19;
	v23 =	vshll.u32 v21, $0x3  }
0x16a: {  	v24 =	vand.u32 $0x7F, v22;
	v19 =	vadd.s32 v5, v19;
	v23 =	vand.u32 $0xFFFFFC00, v23  }
0x16b: {  	vm5 =	vlt.s32 v21, $0x3E8;
	v19 =	vor.u32 v20, v19;
	v17 =	vadd.s32 v5, v23  }
0x16c: {  	s19 =	sadd.s32 $0x300, s19;
	v20 =	vand.u32 $0x7F, v21;
	v23 =	vshll.u32 v22, $0x3;
	v19 =	vor.u32 v4, v19  }
0x16d: {  	v21 =	vadd.s32 s19, v12;
	v17 =	vor.u32 v20, v17;
	v20 =	vand.u32 $0xFFFFFC00, v23  }
0x16e: {  	v23 =	vshll.u32 v21, $0x3;
	v17 =	vor.u32 v4, v17;
	v20 =	vadd.s32 v5, v20  }
0x16f: {  	[tilespmem:v18+s11+$0x0] =	vst.idx.msk vm3, v15;
	vm3 =	vlt.s32 v22, $0x3E8;
	v15 =	vand.u32 $0xFFFFFC00, v23;
	v18 =	vor.u32 v24, v20  }
0x170: {  	[tilespmem:v16+s3+$0x0] =	vst.idx.msk $0x1, v14;
	v20 =	vand.u32 $0x7F, v21;
	v15 =	vadd.s32 v5, v15;
	v16 =	vor.u32 v4, v18  }
0x171: {  	vm6 =	vlt.s32 v21, $0x3E8;
	v15 =	vor.u32 v20, v15;
	v18 =	vld.idx.msk [tilespmem:v19+s3+$0x0], vm4  }
0x172: {  	v15 =	vor.u32 v4, v15  }
0x173: {  	v17 =	vld.idx.msk [tilespmem:v17+s3+$0x0], vm5;
	_ =	sdelay $0x1  }
0x174: {  	v16 =	vld.idx.msk [tilespmem:v16+s3+$0x0], vm3  }
0x175: {  	v18 =	vnsel vm4, $0xFF800000, v18  }
0x176: {  	v15 =	vld.idx.msk [tilespmem:v15+s3+$0x0], vm6;
	vm4 =	vgt.f32 v18, $-Inf  }
0x177: {  	v17 =	vnsel vm5, $0xFF800000, v17;
	v18 =	vnsel vm4, $0xFF800000, v18  }
0x178: {  	vm4 =	vgt.f32 v17, v18  }
0x179: {  	v16 =	vnsel vm3, $0xFF800000, v16;
	v17 =	vsel vm4, v17, v18  }
0x17a: {  	vm3 =	vgt.f32 v16, v17  }
0x17b: {  	v15 =	vnsel vm6, $0xFF800000, v15;
	v16 =	vsel vm3, v16, v17  }
0x17c: {  	vm15 =	vgt.f32 v15, v16  }
0x17d: {  	v15 =	vsel vm15, v15, v16  }
0x17e: {  	(xrf0) =	vmax.scan.msk.f32 $0xffff, v15;
	_ =	sdelay $0x5  }
0x17f: {  	v16, _, _ =	vpop (xrf0)  }
0x180: {  	v17 =	vsel vm4, v10, v9;
	v16 =	vbroadcast v16, $0xF  }
0x181: {  	v17 =	vsel vm3, v11, v17  }
0x182: {  	v17 =	vsel vm15, v13, v17;
	vm3 =	veq.f32 v15, v16  }
0x183: {  	v15 =	vnsel vm3, $0xC0000000, v17  }
0x184: {  	(xrf0) =	vmin.scan.msk.u32 $0xffff, v15;
	_ =	sdelay $0x5  }
0x185: {  	[spmem:s5] =	stream.linear.scatter [tilespmem:s11], [sflag:$0x1], $0x80, $0x38;
	v15, _, _ =	vpop (xrf0);
	[tilespmem:$0xC580] =	vst v63  }
0x186: {  	_ =	swait.ge [sflag:s12], $0x80  }
0x187: {  	[sflag:s12] =	ssyncset.done $0x0  }
0x188: {  	[sflag:s12] =	ssyncadd.s32 $0xFFFFFF80  }
0x189: {  	v15 =	vmov s18;
	[bflag:$0x0] =	sbarrier.arrive $0xFFFF  }
0x18a: {  	v15 =	vshll.u32 v15, $0x3;
	[tilespmem:s13], [sflag:$0x1] =	stream.linear.gather [spmem:s2], $0x800, $0x38;
	[tilespmem:$0xC580] =	vst v63  }
0x18b: {  	v16 =	vor.u32 s18, v7;
	v15 =	vand.u32 $0x1C00, v15;
	_ =	swait.ge [sflag:s12], $0x800  }
0x18c: {  	v16 =	vand.u32 $0x7F, v16;
	v17 =	vor.u32 v3, v15;
	[sflag:s12] =	ssyncset.done $0x0  }
0x18d: {  	s31 =	simm.s32 $0x10;
	v15 =	vadd.s32 v6, v15;
	v17 =	vor.u32 v16, v17;
	[sflag:s12] =	ssyncadd.s32 $0xFFFFF800  }
0x18e: {  	v16 =	vor.u32 v16, v15;
	v15 =	vmov s31;
	[tilespmem:s14], [sflag:$0x1] =	stream.linear.gather [hbm4b:s6+s18], $0x1C00, $0x38;
	[tilespmem:$0xC580] =	vst v63  }
0x18f: {  	v15 =	vshll.u32 v15, $0x3;
	_ =	swait.ge [sflag:s12], $0x1C00  }
0x190: {  	v18 =	vor.u32 s31, v7;
	v20 =	vand.u32 $0x1C00, v15;
	[sflag:s12] =	ssyncset.done $0x0  }
0x191: {  	v19 =	vand.u32 $0x7F, v18;
	v21 =	vor.u32 v3, v20;
	[sflag:s12] =	ssyncadd.s32 $0xFFFFE400  }
0x192: {  	v15 =	vld.idx.msk [tilespmem:v17+s14+$0x0], $0xffff;
	v17 =	vor.u32 v19, v21  }
0x193: {  	s19 =	simm.s32 $0x20;
	v18 =	vimm.f32 $0.0e+00;
	v20 =	vadd.s32 v6, v20;
	v16 =	vld.idx.msk [tilespmem:v16+s14+$0x0], $0xffff  }
.LBB2_19:
0x194: {  	v21 =	vmov s19;
	p0 =	sne.s32 s19, $0x300;
	v22 =	vor.u32 v19, v20;
	s20 =	smov.u32 s19;
	s19 =	sadd.s32 $0x10, s19  }
.Ltmp10:
0x195: {  	v19 =	vshll.u32 v21, $0x3;
	(pc) =	sbr.rel @p0 .LBB2_19-.Ltmp10, $4  }
0x196: {  	v20 =	vor.u32 s20, v7;
	v21 =	vand.u32 $0x1C00, v19  }
0x197: {  	v19 =	vand.u32 $0x7F, v20;
	v18 =	vadd.f32 v15, v18;
	v20 =	vor.u32 v3, v21;
	v15 =	vld.idx.msk [tilespmem:v17+s14+$0x0], $0xffff  }
0x198: {  	v17 =	vor.u32 v19, v20  }
0x199: {  	v20 =	vadd.s32 v6, v21;
	v18 =	vadd.f32 v16, v18;
	v16 =	vld.idx.msk [tilespmem:v22+s14+$0x0], $0xffff  }
0x19a: {  	_ = 	snop  }
0x19b: {  	v19 =	vor.u32 v19, v20;
	_ =	sdelay $0x2  }
0x19c: {  	v17 =	vld.idx.msk [tilespmem:v17+s14+$0x0], $0xffff  }
0x19d: {  	v15 =	vadd.f32 v15, v18  }
0x19e: {  	v63 =	vld.idx.msk [tilespmem:v19+s14+$0x0], $0xffff  }
0x19f: {  	v15 =	vadd.f32 v16, v15;
	_ =	sdelay $0x1  }
0x1a0: {  	v15 =	vadd.f32 v17, v15;
	_ =	sdelay $0x1  }
0x1a1: {  	v21 =	vadd.f32 v63, v15  }
.LBB2_21:
0x1a2: {  	s19 =	sadd.s32 s7, s18  }
0x1a3: {  	v15 =	vor.u32 $0x20, v7;
	s20 =	simm.s32 $0x0;
	s19 =	sshll.u32 s19, $0xD  }
0x1a4: {  	s21 =	simm.s32 $0x0;
	v16 =	vor.u32 $0x60, v7;
	v20 =	vor.u32 s20, v15;
	s19 =	sadd.s32 s19, s8  }
0x1a5: {  	v17 =	vor.u32 $0x50, v7;
	v22 =	vor.u32 s20, v16;
	[tilespmem:s15], [sflag:$0x1] =	stream.linear.gather [hbm4b:s19+s21], $0x8000, $0x38;
	[tilespmem:$0xC580] =	vst v63  }
0x1a6: {  	v18 =	vor.u32 $0x40, v7;
	v23 =	vor.u32 s20, v17;
	_ =	swait.ge [sflag:s12], $0x8000  }
0x1a7: {  	v19 =	vor.u32 $0x10, v7;
	v24 =	vor.u32 s20, v18;
	[sflag:s12] =	ssyncset.done $0x0  }
0x1a8: {  	v25 =	vor.u32 s20, v19;
	[sflag:s12] =	ssyncadd.s32 $0xFFFF8000  }
0x1a9: {  	v26 =	vor.u32 s20, v7;
	v20 =	vld.idx.msk [tilespmem:v20+s13+$0x0], $0xffff  }
0x1aa: {  	v22 =	vld.idx.msk [tilespmem:v22+s13+$0x0], $0xffff  }
0x1ab: {  	v23 =	vld.idx.msk [tilespmem:v23+s13+$0x0], $0xffff  }
0x1ac: {  	v24 =	vld.idx.msk [tilespmem:v24+s13+$0x0], $0xffff  }
0x1ad: {  	v25 =	vld.idx.msk [tilespmem:v25+s13+$0x0], $0xffff  }
0x1ae: {  	s30 =	simm.s32 $0x80;
	v26 =	vld.idx.msk [tilespmem:v26+s13+$0x0], $0xffff  }
0x1af: {  	v27 =	vor.u32 s30, v19;
	v28 =	vor.u32 s30, v15  }
0x1b0: {  	v29 =	vor.u32 s30, v16;
	v30 =	vor.u32 s30, v7;
	v31 =	vor.u32 s30, v18  }
0x1b1: {  	v32 =	vor.u32 s30, v17;
	v33 =	vand.u32 $0x7F, v24;
	v34 =	vand.u32 $0x7F, v23  }
0x1b2: {  	v35 =	vshll.u32 v20, $0x7;
	v36 =	vshll.u32 v25, $0x7;
	v20 =	vshll.u32 v20, $0xA  }
0x1b3: {  	v37 =	vshll.u32 v22, $0x3;
	v38 =	vshll.u32 v26, $0x7;
	v25 =	vshll.u32 v25, $0xA  }
0x1b4: {  	v23 =	vshll.u32 v23, $0x3;
	v26 =	vshll.u32 v26, $0xA;
	v24 =	vshll.u32 v24, $0x3  }
0x1b5: {  	v40 =	vld.idx.msk [tilespmem:v28+s13+$0x0], $0xffff;
	v36 =	vand.u32 $0x380, v36;
	v26 =	vand.u32 $0xFFFFE000, v26;
	v24 =	vand.u32 $0xFFFFFC00, v24  }
0x1b6: {  	v31 =	vld.idx.msk [tilespmem:v31+s13+$0x0], $0xffff;
	v39 =	vand.u32 $0xFFFFE000, v20;
	v24 =	vadd.s32 v26, v24;
	v26 =	vand.u32 $0x380, v38  }
0x1b7: {  	v27 =	vld.idx.msk [tilespmem:v27+s13+$0x0], $0xffff;
	v25 =	vand.u32 $0xFFFFE000, v25;
	v23 =	vand.u32 $0xFFFFFC00, v23;
	v24 =	vor.u32 v26, v24  }
0x1b8: {  	v30 =	vld.idx.msk [tilespmem:v30+s13+$0x0], $0xffff;
	v23 =	vadd.s32 v25, v23;
	v26 =	vand.u32 $0xFFFFFC00, v37;
	v24 =	vor.u32 v33, v24  }
0x1b9: {  	v32 =	vld.idx.msk [tilespmem:v32+s13+$0x0], $0xffff;
	v23 =	vor.u32 v36, v23;
	v25 =	vadd.s32 v39, v26;
	v26 =	vand.u32 $0x380, v35  }
0x1ba: {  	v22 =	vand.u32 $0x7F, v22;
	v50 =	vor.u32 v34, v23;
	v23 =	vor.u32 v26, v25  }
0x1bb: {  	s31 =	simm.s32 $0x100;
	v51 =	vor.u32 v22, v23  }
0x1bc: {  	v52 =	vor.u32 s31, v15;
	v53 =	vor.u32 s31, v16;
	v28 =	vand.u32 $0x7F, v31  }
0x1bd: {  	v56 =	vshll.u32 v27, $0x7;
	v57 =	vshll.u32 v40, $0xA;
	v59 =	vshll.u32 v30, $0x7;
	v54 =	vld.idx.msk [tilespmem:v24+s15+$0x0], $0xffff  }
0x1be: {  	v27 =	vshll.u32 v27, $0xA;
	v42 =	vshll.u32 v32, $0x3;
	v43 =	vshll.u32 v30, $0xA;
	v20 =	vld.idx.msk [tilespmem:v29+s13+$0x0], $0xffff  }
0x1bf: {  	v44 =	vshll.u32 v31, $0x3;
	v29 =	vor.u32 s31, v17;
	v30 =	vand.u32 $0x380, v56;
	v55 =	vld.idx.msk [tilespmem:v50+s15+$0x0], $0xffff  }
0x1c0: {  	v31 =	vand.u32 $0xFFFFE000, v57;
	v60 =	vand.u32 $0xFFFFE000, v43;
	v61 =	vand.u32 $0xFFFFFC00, v44;
	v41 =	vld.idx.msk [tilespmem:v51+s15+$0x0], $0xfff  }
0x1c1: {  	v63 =	vand.u32 $0x380, v59;
	v62 =	vadd.s32 v60, v61;
	v36 =	vand.u32 $0xFFFFFC00, v42  }
0x1c2: {  	v33 =	vand.u32 $0xFFFFE000, v27;
	v26 =	vor.u32 s31, v18;
	v21 =	vadd.f32 v54, v21  }
0x1c3: {  	v35 =	vor.u32 v63, v62;
	v25 =	vshll.u32 v40, $0x7;
	v22 =	vor.u32 s31, v19  }
0x1c4: {  	v27 =	vld.idx.msk [tilespmem:v52+s13+$0x0], $0xffff;
	v23 =	vor.u32 s31, v7;
	v58 =	vshll.u32 v20, $0x3;
	v34 =	vadd.f32 v55, v21  }
0x1c5: {  	s19 =	simm.s32 $0x3;
	v24 =	vand.u32 $0x7F, v32;
	v32 =	vand.u32 $0xFFFFFC00, v58;
	v21 =	vld.idx.msk [tilespmem:v53+s13+$0x0], $0xffff;
	v37 =	vnsel vm0, $0x0, v41  }
.LBB2_22:
0x1c6: {  	p0 =	sne.s32 s19, $0xF;
	v38 =	vld.idx.msk [tilespmem:v29+s13+$0x0], $0xffff;
	v28 =	vor.u32 v28, v35;
	v29 =	vadd.s32 v33, v36;
	v33 =	vadd.f32 v37, v34  }
0x1c7: {  	v25 =	vand.u32 $0x380, v25;
	v34 =	vld.idx.msk [tilespmem:v26+s13+$0x0], $0xffff;
	v26 =	vor.u32 v30, v29;
	v29 =	vadd.s32 v31, v32  }
0x1c8: {  	v20 =	vand.u32 $0x7F, v20;
	v30 =	vld.idx.msk [tilespmem:v22+s13+$0x0], $0xffff;
	v31 =	vor.u32 v24, v26;
	v22 =	vor.u32 v25, v29  }
0x1c9: {  	v32 =	vld.idx.msk [tilespmem:v23+s13+$0x0], $0xffff;
	v35 =	vor.u32 v20, v22  }
0x1ca: {  	s20 =	sshll.u32 s19, $0x7  }
0x1cb: {  	v36 =	vor.u32 s20, v15;
	v37 =	vor.u32 s20, v16;
	v22 =	vor.u32 s20, v19;
	v20 =	vmovc v21;
	v39 =	vld.idx.msk [tilespmem:v28+s15+$0x0], $0xffff  }
0x1cc: {  	v26 =	vor.u32 s20, v18;
	v29 =	vor.u32 s20, v17;
	v23 =	vor.u32 s20, v7  }
0x1cd: {  	v25 =	vshll.u32 v27, $0x7;
	v24 =	vand.u32 $0x7F, v38;
	v28 =	vand.u32 $0x7F, v34;
	v21 =	vld.idx.msk [tilespmem:v31+s15+$0x0], $0xffff  }
0x1ce: {  	v27 =	vshll.u32 v27, $0xA;
	v40 =	vshll.u32 v20, $0x3;
	v31 =	vshll.u32 v30, $0x7;
	v41 =	vld.idx.msk [tilespmem:v35+s15+$0x0], $0xfff  }
0x1cf: {  	v38 =	vshll.u32 v38, $0x3;
	v42 =	vshll.u32 v30, $0xA;
	v35 =	vshll.u32 v32, $0x7  }
.Ltmp11:
0x1d0: {  	v34 =	vshll.u32 v34, $0x3;
	v43 =	vshll.u32 v32, $0xA;
	v30 =	vand.u32 $0x380, v31;
	(pc) =	sbr.rel @p0 .LBB2_22-.Ltmp11, $4  }
0x1d1: {  	v31 =	vand.u32 $0xFFFFE000, v27;
	v32 =	vand.u32 $0xFFFFFC00, v40;
	v39 =	vadd.f32 v39, v33  }
0x1d2: {  	v34 =	vand.u32 $0xFFFFFC00, v34;
	v40 =	vand.u32 $0xFFFFE000, v43;
	v33 =	vand.u32 $0xFFFFE000, v42  }
0x1d3: {  	v35 =	vand.u32 $0x380, v35;
	v27 =	vld.idx.msk [tilespmem:v36+s13+$0x0], $0xffff;
	v36 =	vadd.s32 v40, v34;
	v34 =	vadd.f32 v21, v39  }
0x1d4: {  	s19 =	sadd.s32 $0x1, s19;
	v21 =	vld.idx.msk [tilespmem:v37+s13+$0x0], $0xffff;
	v35 =	vor.u32 v35, v36;
	v36 =	vand.u32 $0xFFFFFC00, v38;
	v37 =	vnsel vm0, $0x0, v41  }
0x1d5: {  	_ =	sdelay $0x3  }
0x1d6: {  	v15 =	vld.idx.msk [tilespmem:v29+s13+$0x0], $0xffff  }
0x1d7: {  	v16 =	vld.idx.msk [tilespmem:v26+s13+$0x0], $0xffff  }
0x1d8: {  	v17 =	vld.idx.msk [tilespmem:v22+s13+$0x0], $0xffff  }
0x1d9: {  	v18 =	vor.u32 v28, v35;
	v19 =	vadd.s32 v33, v36;
	v22 =	vadd.f32 v37, v34;
	v23 =	vld.idx.msk [tilespmem:v23+s13+$0x0], $0xffff  }
0x1da: {  	v50 =	vadd.s32 v31, v32;
	v25 =	vand.u32 $0x380, v25;
	v19 =	vor.u32 v30, v19  }
0x1db: {  	v20 =	vand.u32 $0x7F, v20;
	v51 =	vor.u32 v25, v50;
	v19 =	vor.u32 v24, v19  }
0x1dc: {  	v20 =	vor.u32 v20, v51;
	v54 =	vshll.u32 v27, $0x7;
	v56 =	vshll.u32 v27, $0xA  }
0x1dd: {  	v57 =	vshll.u32 v21, $0x3;
	v27 =	vand.u32 $0xFFFFE000, v56;
	v52 =	vand.u32 $0x7F, v16  }
0x1de: {  	v53 =	vand.u32 $0x7F, v15;
	v55 =	vshll.u32 v17, $0x7;
	v58 =	vshll.u32 v23, $0x7  }
0x1df: {  	v17 =	vshll.u32 v17, $0xA;
	v23 =	vshll.u32 v23, $0xA;
	v16 =	vshll.u32 v16, $0x3  }
0x1e0: {  	v15 =	vshll.u32 v15, $0x3;
	v23 =	vand.u32 $0xFFFFE000, v23;
	v16 =	vand.u32 $0xFFFFFC00, v16  }
0x1e1: {  	v28 =	vand.u32 $0x380, v55;
	v16 =	vadd.s32 v23, v16;
	v23 =	vand.u32 $0x380, v58  }
0x1e2: {  	v18 =	vld.idx.msk [tilespmem:v18+s15+$0x0], $0xffff;
	v17 =	vand.u32 $0xFFFFE000, v17;
	v15 =	vand.u32 $0xFFFFFC00, v15;
	v16 =	vor.u32 v23, v16  }
0x1e3: {  	v15 =	vadd.s32 v17, v15;
	v23 =	vand.u32 $0xFFFFFC00, v57;
	v16 =	vor.u32 v52, v16  }
0x1e4: {  	v59 =	vld.idx.msk [tilespmem:v19+s15+$0x0], $0xffff;
	v15 =	vor.u32 v28, v15;
	v60 =	vadd.s32 v27, v23;
	v23 =	vand.u32 $0x380, v54  }
0x1e5: {  	v21 =	vand.u32 $0x7F, v21;
	v20 =	vld.idx.msk [tilespmem:v20+s15+$0x0], $0xfff;
	v15 =	vor.u32 v53, v15;
	v19 =	vor.u32 v23, v60  }
0x1e6: {  	v19 =	vor.u32 v21, v19  }
0x1e7: {  	v18 =	vadd.f32 v18, v22  }
0x1e8: {  	v16 =	vld.idx.msk [tilespmem:v16+s15+$0x0], $0xffff  }
0x1e9: {  	v17 =	vadd.f32 v59, v18  }
0x1ea: {  	v61 =	vnsel vm0, $0x0, v20;
	v15 =	vld.idx.msk [tilespmem:v15+s15+$0x0], $0xffff  }
0x1eb: {  	s18 =	sadd.s32 $0x1, s18;
	v17 =	vadd.f32 v61, v17;
	v62 =	vld.idx.msk [tilespmem:v19+s15+$0x0], $0xfff  }
0x1ec: {  	p0 =	sne.s32 s18, $0x31  }
.Ltmp12:
0x1ed: {  	v16 =	vadd.f32 v16, v17;
	(pc) =	sbr.rel @p0 .LBB2_21-.Ltmp12, $4  }
0x1ee: {  	_ = 	snop  }
0x1ef: {  	v15 =	vadd.f32 v15, v16  }
0x1f0: {  	v63 =	vnsel vm0, $0x0, v62  }
0x1f1: {  	v21 =	vadd.f32 v63, v15  }
0x1f2: {  	_ = 	snop  }
0x1f3: {  	v15 =	vmul.f32 $1.992984650e-05, v21  }
0x1f4: {  	s17 =	sadd.s32 $0x1, s17  }
0x1f5: {  	p0 =	sne.s32 s17, s10;
	[tilespmem:$0xC480] =	vst v15  }
0x1f6: {  	[hbm4b:s9+s3] =	stream.linear.scatter [tilespmem:s16], [sflag:$0x1], $0x80, $0x38;
	[tilespmem:$0xC580] =	vst v63  }
.Ltmp13:
0x1f7: {  	_ = 	snop;
	(pc) =	sbr.rel @p0 .LBB2_1-.Ltmp13, $4  }
.Ltmp14:
0x1f8: {  	_ = 	snop;
	(pc) =	sbr.rel @!p0 .LBB2_25-.Ltmp14, $4  }
0x1f9: {  	_ =	swait.ge [sflag:s12], $0x80  }
0x1fa: {  	[sflag:s12] =	ssyncset.done $0x0  }
0x1fb: {  	[sflag:s12] =	ssyncadd.s32 $0xFFFFFF80  }
0x1fc: {  	_ = 	snop  }
.LBB2_8:
.Ltmp15:
0x1fd: {  	(pc) =	sbr.rel .LBB2_13-.Ltmp15, $2  }
0x1fe: {  	_ =	sdelay $0x2  }
0x1ff: {  	v19 =	vimm.f32 $-Inf;
	v20 =	vimm.s32 $0x0  }
.LBB2_5:
.Ltmp16:
0x200: {  	(pc) =	sbr.rel .LBB2_7-.Ltmp16, $2  }
0x201: {  	_ =	sdelay $0x2  }
0x202: {  	v19 =	vmov v16;
	v18 =	vmov v15;
	s20 =	simm.s32 $0x1  }
.LBB2_10:
.Ltmp17:
0x203: {  	(pc) =	sbr.rel .LBB2_13-.Ltmp17, $2  }
0x204: {  	_ =	sdelay $0x2  }
0x205: {  	v19 =	vimm.f32 $-Inf;
	s20 =	simm.s32 $0x0;
	v20 =	vimm.s32 $0x0;
	s19 =	simm.s32 $0x1  }
.LBB2_15:
.Ltmp18:
0x206: {  	(pc) =	sbr.rel .LBB2_18-.Ltmp18, $2  }
0x207: {  	_ =	sdelay $0x2  }
0x208: {  	v18 =	vmov v16;
	v17 =	vmov v15;
	s20 =	simm.s32 $0x1  }
.LBB2_25:
0x209: {  	_ =	sfence.sel $0x180000  }
0x20a: {  	[bflag:$0x0] =	sbarrier.arrive $0xFFFF  }
0x20b: {  	p0 =	sne.s32 s1, $0x0;
	_ =	strace $0x90000047  }
0x20c: {  	s0 =	sadd.s32 @!p0 $0x100000, s0;
	[bflag:$0x2] =	sbarrier.arrive $0xFFFF  }
0x20d: {  	[sflag:s0] =	ssyncadd.tile.s32 @!p0 $0x1;
	_ =	shalt  }
.Lfunc_end2:
_tile_overlayer_lowered:
.L_overlay_start_2:
0x20e: {  	(tag) =	ssettag $0x2  }
0x20f: {  	s0 =	rddreg [dreg:$0x0];
	s2 =	stileid.u32  }
0x210: {  	s1 =	rddreg [dreg:$0x1];
	p0 =	sne.s32 s2, $0x0  }
0x211: {  	s3 =	rddreg [dreg:$0x2];
	[bflag:$0x3] =	sbarrier.arrive $0xFFFF;
	s2 =	simm.s32 @!p0 $0x1C01  }
0x212: {  	[timem:s3], [sflag:s2] =	dma.local @!p0 [hbm:s0], s1  }
0x213: {  	s0 =	simm.s32 @!p0 $0x1  }
0x214: {  	_ =	swait.ge @!p0 [sflag:s0], s1  }
0x215: {  	s1 =	ssub.s32 @!p0 $0x0, s1;
	[sflag:s0] =	ssyncset.done @!p0 $0x0  }
0x216: {  	[sflag:s0] =	ssyncadd.s32 @!p0 s1  }
0x217: {  	[bflag:$0x3] =	sbarrier.arrive $0xFFFF  }
0x218: {  	_ =	shalt  }

</sc_bundles>
